<compile_context>
chip_gen: v7x
topology: tpu7x:2x2x1
jax: 0.10.2.dev20260603
libtpu: 0.0.44.dev20260713+nightly
codegen_flags: <defaults>
</compile_context>

<pallas_src>
import jax
import jax.numpy as jnp
from jax import lax
from jax.experimental import pallas as pl
from jax.experimental.pallas import tpu as pltpu
from jax.experimental.pallas import tpu_sc as plsc

B, C, N = 8, 3, 32768
K = 1024
NC, NS, L = 2, 16, 16
GPB = 4
NCHUNK = N // GPB
NSLICE = NCHUNK // L
BPS = NS // GPB
U = 4
BIGF = 3.0e38



def _fps_kernel(x_hbm, out_hbm, xv, yv, zv, dv, out_v, comm_v, row_v,
                p0_v, comm_sh):
    c = lax.axis_index("c")
    s = lax.axis_index("s")
    b = c * BPS + s // GPB
    lb = s // GPB
    g = s % GPB
    base = g * NCHUNK

    iota_i = lax.iota(jnp.int32, L)
    iota_f = iota_i.astype(jnp.float32)

    def fulli(v):
        return jnp.full((L,), v, jnp.int32)

    def fullf(v):
        return jnp.full((L,), v, jnp.float32)

    xoff = b * (C * N)
    pltpu.sync_copy(x_hbm.at[pl.ds(xoff + base, NCHUNK)], xv)
    pltpu.sync_copy(x_hbm.at[pl.ds(xoff + N + base, NCHUNK)], yv)
    pltpu.sync_copy(x_hbm.at[pl.ds(xoff + 2 * N + base, NCHUNK)], zv)
    pltpu.sync_copy(x_hbm.at[pl.ds(xoff, L)], p0_v.at[pl.ds(8, L)])
    pltpu.sync_copy(x_hbm.at[pl.ds(xoff + N, L)], p0_v.at[pl.ds(8 + L, L)])
    pltpu.sync_copy(x_hbm.at[pl.ds(xoff + 2 * N, L)],
                    p0_v.at[pl.ds(8 + 2 * L, L)])

    px0 = plsc.load_gather(p0_v, [fulli(8)])
    py0 = plsc.load_gather(p0_v, [fulli(8 + L)])
    pz0 = plsc.load_gather(p0_v, [fulli(8 + 2 * L)])

    inf_vec = fullf(jnp.inf)

    def init_body(t, _):
        dv[pl.ds(t * L, L)] = inf_vec
        return 0

    lax.fori_loop(0, NSLICE, init_body, 0)

    row_sel = jnp.minimum(iota_i, C - 1) * K
    out_mask0 = (iota_i < C) & (g == 0)
    coords0 = jnp.where(iota_i == 0, px0, jnp.where(iota_i == 1, py0, pz0))
    plsc.store_scatter(out_v, [row_sel], coords0, mask=out_mask0)

    def step(i, carry):
        px, py, pz = carry

        def dist_body(t, a):
            vmax, vidx, tvec = a
            sl = pl.ds(t * L, L)
            dx = xv[sl] - px
            dy = yv[sl] - py
            dz = zv[sl] - pz
            d = (dx * dx + dy * dy) + dz * dz
            dn = jnp.minimum(dv[sl], d)
            dv[sl] = dn
            better = dn > vmax
            vmax = jnp.where(better, dn, vmax)
            vidx = jnp.where(better, tvec, vidx)
            return (vmax, vidx, tvec + jnp.float32(L))

        vmax, vidx, _ = plsc.parallel_loop(
            0, NSLICE, unroll=U,
            carry=(fullf(-jnp.inf), fullf(0.0), iota_f))(dist_body)

        m = jnp.max(vmax)
        li = jnp.min(jnp.where(vmax == m, vidx, BIGF))
        gi = li + lax.convert_element_type(base, jnp.float32)

        li_vec = jnp.full((L,), li).astype(jnp.int32)
        cx = plsc.load_gather(xv, [li_vec])
        cy = plsc.load_gather(yv, [li_vec])
        cz = plsc.load_gather(zv, [li_vec])

        row = jnp.where(
            iota_i == 0, jnp.full((L,), m),
            jnp.where(
                iota_i == 1, jnp.full((L,), gi),
                jnp.where(iota_i == 2, cx,
                          jnp.where(iota_i == 3, cy, cz))))
        row_v[...] = row
        boff = lax.rem(i, 2) * (BPS * GPB * L) + lb * (GPB * L)
        pltpu.sync_copy(row_v, comm_sh.at[pl.ds(boff + g * L, L)])
        plsc.subcore_barrier()
        pltpu.sync_copy(comm_sh.at[pl.ds(boff, GPB * L)], comm_v)

        rsel = jnp.minimum(iota_i, GPB - 1) * L
        vals = plsc.load_gather(comm_v, [rsel])
        gidx = plsc.load_gather(comm_v, [rsel + 1])
        lane_ok = iota_i < GPB
        m2 = jnp.max(jnp.where(lane_ok, vals, -jnp.inf))
        gwin = jnp.min(jnp.where(lane_ok & (vals == m2), gidx, BIGF))
        w_vec = (jnp.full((L,), gwin).astype(jnp.int32) // NCHUNK) * L
        nx = plsc.load_gather(comm_v, [w_vec + 2])
        ny = plsc.load_gather(comm_v, [w_vec + 3])
        nz = plsc.load_gather(comm_v, [w_vec + 4])

        coords = jnp.where(iota_i == 0, nx, jnp.where(iota_i == 1, ny, nz))
        plsc.store_scatter(out_v, [row_sel + i], coords, mask=out_mask0)
        return (nx, ny, nz)

    lax.fori_loop(1, K, step, (px0, py0, pz0))

    @pl.when(g == 0)
    def _():
        pltpu.sync_copy(out_v, out_hbm.at[pl.ds(b * (C * K), C * K)])


@jax.jit
def kernel(x):
    mesh = plsc.VectorSubcoreMesh(core_axis_name="c", subcore_axis_name="s",
                                  num_cores=NC, num_subcores=NS)
    run = pl.kernel(
        _fps_kernel,
        out_type=jax.ShapeDtypeStruct((B * C * K,), jnp.float32),
        mesh=mesh,
        compiler_params=pltpu.CompilerParams(needs_layout_passes=False),
        scratch_types=[
            pltpu.VMEM((NCHUNK,), jnp.float32),
            pltpu.VMEM((NCHUNK,), jnp.float32),
            pltpu.VMEM((NCHUNK,), jnp.float32),
            pltpu.VMEM((NCHUNK,), jnp.float32),
            pltpu.VMEM((C * K,), jnp.float32),
            pltpu.VMEM((GPB * L,), jnp.float32),
            pltpu.VMEM((L,), jnp.float32),
            pltpu.VMEM((8 + C * L + 8,), jnp.float32),
            pltpu.VMEM_SHARED((2 * BPS * GPB * L,), jnp.float32),
        ],
    )
    return run(x.reshape(B * C * N)).reshape(B, C, K)

# --- scband reference (transcript-rebuilt; emitter-appended) ---
"""Pipeline reference for scband-fpssampler-54039278518845 (READ-ONLY COPY).

The authoritative reference and input builder live on the scoring server;
editing this copy changes nothing except your own understanding.
"""

import jax, jax.numpy as jnp
import numpy as np

NUM_OUT_POINTS = 1024
PERMUTE = False


def fps_indices(p_t, k):
    # p_t: [B, N, 3] point cloud; returns int32 [B, k] furthest-point-sample indices.
    B, N, _ = p_t.shape

    def body(i, state):
        dists, idxs, last = state
        last_pt = jnp.take_along_axis(p_t, last[:, None, None], axis=1)  # [B,1,3]
        d = jnp.sum((p_t - last_pt) ** 2, axis=-1)  # [B,N]
        dists = jnp.minimum(dists, d)
        nxt = jnp.argmax(dists, axis=1).astype(jnp.int32)  # [B]
        idxs = idxs.at[:, i].set(nxt)
        return (dists, idxs, nxt)

    idxs0 = jnp.zeros((B, k), dtype=jnp.int32)
    dists0 = jnp.full((B, N), jnp.inf, dtype=jnp.float32)
    last0 = jnp.zeros((B,), dtype=jnp.int32)
    _, idxs, _ = jax.lax.fori_loop(1, k, body, (dists0, idxs0, last0))
    return idxs


def gather_points(p, idx):
    # p: [B, dim, N]; idx: [B, k] -> [B, dim, k]
    B, dim, _ = p.shape
    k = idx.shape[1]
    idx_exp = jnp.broadcast_to(idx[:, None, :], (B, dim, k))
    return jnp.take_along_axis(p, idx_exp, axis=2)


def setup_inputs(seed: int = 0) -> dict:
    key = jax.random.key(seed)
    x = jax.random.normal(key, (8, 3, 32768), dtype=jnp.float32)
    return {"x": x}


def reference(x):
    # FPSSampler.forward with permute=False
    y = x
    p_t = jnp.transpose(y, (0, 2, 1))  # [B, N, 3]
    idx = fps_indices(p_t, NUM_OUT_POINTS)  # [B, k]
    out = gather_points(y, idx)  # [B, 3, k]
    return out

if __name__ == "__main__":
    import jax
    _d = setup_inputs()
    print(jax.jit(kernel)(*tuple(_d.values())))

</pallas_src>

<mosaic_0001>
#map = affine_map<(d0, d1) -> (0)>
module attributes {stable_mosaic.version = 14 : i64} {
  func.func @_fps_kernel(%arg0: i32, %arg1: i32, %arg2: memref<786432xf32, #tpu.memory_space<hbm>>, %arg3: memref<24576xf32, #tpu.memory_space<hbm>>, %arg4: memref<8192xf32, #tpu.memory_space<vmem>>, %arg5: memref<8192xf32, #tpu.memory_space<vmem>>, %arg6: memref<8192xf32, #tpu.memory_space<vmem>>, %arg7: memref<8192xf32, #tpu.memory_space<vmem>>, %arg8: memref<3072xf32, #tpu.memory_space<vmem>>, %arg9: memref<64xf32, #tpu.memory_space<vmem>>, %arg10: memref<16xf32, #tpu.memory_space<vmem>>, %arg11: memref<64xf32, #tpu.memory_space<vmem>>, %arg12: memref<512xf32, #tpu.memory_space<vmem_shared>>) attributes {dimension_semantics = [#tpu.dimension_semantics<core_parallel>, #tpu.dimension_semantics<subcore_parallel>], iteration_bounds = array<i64: 2, 16>, scalar_prefetch = 0 : i64, scratch_operands = 9 : i64, tpu.core_type = #tpu.core_type<sc_vector_subcore>, window_params = [{transform_indices = #map}, {transform_indices = #map}]} {
    %mul3A = arith.constant 4 : i32
    %mul3A_0 = arith.muli %arg0, %mul3A : i32
    %jit3A = arith.constant 4 : i32
    %div3A = arith.divsi %arg1, %jit3A : i32
    %sign3A = arith.constant 0 : i32
    %sign3A_1 = arith.cmpi sgt, %arg1, %sign3A : i32
    %sign3A_2 = arith.extui %sign3A_1 : i1 to i32
    %sign3A_3 = arith.constant 0 : i32
    %sign3A_4 = arith.cmpi slt, %arg1, %sign3A_3 : i32
    %sign3A_5 = arith.extui %sign3A_4 : i1 to i32
    %sign3A_6 = arith.subi %sign3A_2, %sign3A_5 : i32
    %sign3A_7 = arith.constant 0 : i32
    %sign3A_8 = arith.cmpi sgt, %jit3A, %sign3A_7 : i32
    %sign3A_9 = arith.extui %sign3A_8 : i1 to i32
    %sign3A_10 = arith.constant 0 : i32
    %sign3A_11 = arith.cmpi slt, %jit3A, %sign3A_10 : i32
    %sign3A_12 = arith.extui %sign3A_11 : i1 to i32
    %sign3A_13 = arith.subi %sign3A_9, %sign3A_12 : i32
    %ne3A = arith.cmpi ne, %sign3A_6, %sign3A_13 : i32
    %rem3A = arith.remsi %arg1, %jit3A : i32
    %ne3A_14 = arith.constant 0 : i32
    %ne3A_15 = arith.cmpi ne, %rem3A, %ne3A_14 : i32
    %and3A = arith.andi %ne3A, %ne3A_15 : i1
    %sub3A = arith.constant 1 : i32
    %sub3A_16 = arith.subi %div3A, %sub3A : i32
    %select_n3A = arith.select %and3A, %sub3A_16, %div3A : i32
    %add3A = arith.addi %mul3A_0, %select_n3A : i32
    %jit3A_17 = arith.constant 4 : i32
    %div3A_18 = arith.divsi %arg1, %jit3A_17 : i32
    %sign3A_19 = arith.constant 0 : i32
    %sign3A_20 = arith.cmpi sgt, %arg1, %sign3A_19 : i32
    %sign3A_21 = arith.extui %sign3A_20 : i1 to i32
    %sign3A_22 = arith.constant 0 : i32
    %sign3A_23 = arith.cmpi slt, %arg1, %sign3A_22 : i32
    %sign3A_24 = arith.extui %sign3A_23 : i1 to i32
    %sign3A_25 = arith.subi %sign3A_21, %sign3A_24 : i32
    %sign3A_26 = arith.constant 0 : i32
    %sign3A_27 = arith.cmpi sgt, %jit3A_17, %sign3A_26 : i32
    %sign3A_28 = arith.extui %sign3A_27 : i1 to i32
    %sign3A_29 = arith.constant 0 : i32
    %sign3A_30 = arith.cmpi slt, %jit3A_17, %sign3A_29 : i32
    %sign3A_31 = arith.extui %sign3A_30 : i1 to i32
    %sign3A_32 = arith.subi %sign3A_28, %sign3A_31 : i32
    %ne3A_33 = arith.cmpi ne, %sign3A_25, %sign3A_32 : i32
    %rem3A_34 = arith.remsi %arg1, %jit3A_17 : i32
    %ne3A_35 = arith.constant 0 : i32
    %ne3A_36 = arith.cmpi ne, %rem3A_34, %ne3A_35 : i32
    %and3A_37 = arith.andi %ne3A_33, %ne3A_36 : i1
    %sub3A_38 = arith.constant 1 : i32
    %sub3A_39 = arith.subi %div3A_18, %sub3A_38 : i32
    %select_n3A_40 = arith.select %and3A_37, %sub3A_39, %div3A_18 : i32
    %jit3A_41 = arith.constant 4 : i32
    %eq3A = arith.constant 0 : i32
    %eq3A_42 = arith.cmpi eq, %jit3A_41, %eq3A : i32
    %jit3A_43 = arith.constant 1 : i32
    %select_n3A_44 = arith.select %eq3A_42, %jit3A_43, %jit3A_41 : i32
    %rem3A_45 = arith.remsi %arg1, %select_n3A_44 : i32
    %ne3A_46 = arith.constant 0 : i32
    %ne3A_47 = arith.cmpi ne, %rem3A_45, %ne3A_46 : i32
    %lt3A = arith.constant 0 : i32
    %lt3A_48 = arith.cmpi slt, %rem3A_45, %lt3A : i32
    %lt3A_49 = arith.constant 0 : i32
    %lt3A_50 = arith.cmpi slt, %select_n3A_44, %lt3A_49 : i32
    %ne3A_51 = arith.xori %lt3A_48, %lt3A_50 : i1
    %and3A_52 = arith.andi %ne3A_51, %ne3A_47 : i1
    %add3A_53 = arith.addi %rem3A_45, %select_n3A_44 : i32
    %select_n3A_54 = arith.select %and3A_52, %add3A_53, %rem3A_45 : i32
    %mul3A_55 = arith.constant 8192 : i32
    %mul3A_56 = arith.muli %select_n3A_54, %mul3A_55 : i32
    %iota3A = tpu.iota {dimensions = array<i32: 0>} : vector<16xi32>
    %convert_element_type3A = arith.sitofp %iota3A : vector<16xi32> to vector<16xf32>
    %mul3A_57 = arith.constant 98304 : i32
    %mul3A_58 = arith.muli %add3A, %mul3A_57 : i32
    %add3A_59 = arith.addi %mul3A_58, %mul3A_56 : i32
    "tpu.region"() ({
      %run_scoped3A = tpu.sem_alloc : memref<!tpu.dma_semaphore, #tpu.memory_space<semaphore_mem>>
      %dma_start3A = tpu.memref_slice %arg2[%add3A_59] : memref<786432xf32, #tpu.memory_space<hbm>> -> memref<8192xf32, #tpu.memory_space<hbm>>
      %dma_start3A_115 = tpu.memref_slice %arg2[%add3A_59] : memref<786432xf32, #tpu.memory_space<hbm>> -> memref<8192xf32, #tpu.memory_space<hbm>>
      tpu.enqueue_dma source(%dma_start3A_115 : memref<8192xf32, #tpu.memory_space<hbm>>) target(%arg4 : memref<8192xf32, #tpu.memory_space<vmem>>) target_semaphore(%run_scoped3A : memref<!tpu.dma_semaphore, #tpu.memory_space<semaphore_mem>>)
      %dma_wait3A = tpu.memref_slice %arg2[%add3A_59] : memref<786432xf32, #tpu.memory_space<hbm>> -> memref<8192xf32, #tpu.memory_space<hbm>>
      %dma_wait3A_116 = tpu.memref_slice %arg2[%add3A_59] : memref<786432xf32, #tpu.memory_space<hbm>> -> memref<8192xf32, #tpu.memory_space<hbm>>
      tpu.wait_dma2 semaphore(%run_scoped3A : memref<!tpu.dma_semaphore, #tpu.memory_space<semaphore_mem>>) src(%dma_wait3A_116 : memref<8192xf32, #tpu.memory_space<hbm>>) dst(%arg4 : memref<8192xf32, #tpu.memory_space<vmem>>)
      tpu.yield
    }) : () -> ()
    %add3A_60 = arith.constant 32768 : i32
    %add3A_61 = arith.addi %mul3A_58, %add3A_60 : i32
    %add3A_62 = arith.addi %add3A_61, %mul3A_56 : i32
    "tpu.region"() ({
      %run_scoped3A = tpu.sem_alloc : memref<!tpu.dma_semaphore, #tpu.memory_space<semaphore_mem>>
      %dma_start3A = tpu.memref_slice %arg2[%add3A_62] : memref<786432xf32, #tpu.memory_space<hbm>> -> memref<8192xf32, #tpu.memory_space<hbm>>
      %dma_start3A_115 = tpu.memref_slice %arg2[%add3A_62] : memref<786432xf32, #tpu.memory_space<hbm>> -> memref<8192xf32, #tpu.memory_space<hbm>>
      tpu.enqueue_dma source(%dma_start3A_115 : memref<8192xf32, #tpu.memory_space<hbm>>) target(%arg5 : memref<8192xf32, #tpu.memory_space<vmem>>) target_semaphore(%run_scoped3A : memref<!tpu.dma_semaphore, #tpu.memory_space<semaphore_mem>>)
      %dma_wait3A = tpu.memref_slice %arg2[%add3A_62] : memref<786432xf32, #tpu.memory_space<hbm>> -> memref<8192xf32, #tpu.memory_space<hbm>>
      %dma_wait3A_116 = tpu.memref_slice %arg2[%add3A_62] : memref<786432xf32, #tpu.memory_space<hbm>> -> memref<8192xf32, #tpu.memory_space<hbm>>
      tpu.wait_dma2 semaphore(%run_scoped3A : memref<!tpu.dma_semaphore, #tpu.memory_space<semaphore_mem>>) src(%dma_wait3A_116 : memref<8192xf32, #tpu.memory_space<hbm>>) dst(%arg5 : memref<8192xf32, #tpu.memory_space<vmem>>)
      tpu.yield
    }) : () -> ()
    %add3A_63 = arith.constant 65536 : i32
    %add3A_64 = arith.addi %mul3A_58, %add3A_63 : i32
    %add3A_65 = arith.addi %add3A_64, %mul3A_56 : i32
    "tpu.region"() ({
      %run_scoped3A = tpu.sem_alloc : memref<!tpu.dma_semaphore, #tpu.memory_space<semaphore_mem>>
      %dma_start3A = tpu.memref_slice %arg2[%add3A_65] : memref<786432xf32, #tpu.memory_space<hbm>> -> memref<8192xf32, #tpu.memory_space<hbm>>
      %dma_start3A_115 = tpu.memref_slice %arg2[%add3A_65] : memref<786432xf32, #tpu.memory_space<hbm>> -> memref<8192xf32, #tpu.memory_space<hbm>>
      tpu.enqueue_dma source(%dma_start3A_115 : memref<8192xf32, #tpu.memory_space<hbm>>) target(%arg6 : memref<8192xf32, #tpu.memory_space<vmem>>) target_semaphore(%run_scoped3A : memref<!tpu.dma_semaphore, #tpu.memory_space<semaphore_mem>>)
      %dma_wait3A = tpu.memref_slice %arg2[%add3A_65] : memref<786432xf32, #tpu.memory_space<hbm>> -> memref<8192xf32, #tpu.memory_space<hbm>>
      %dma_wait3A_116 = tpu.memref_slice %arg2[%add3A_65] : memref<786432xf32, #tpu.memory_space<hbm>> -> memref<8192xf32, #tpu.memory_space<hbm>>
      tpu.wait_dma2 semaphore(%run_scoped3A : memref<!tpu.dma_semaphore, #tpu.memory_space<semaphore_mem>>) src(%dma_wait3A_116 : memref<8192xf32, #tpu.memory_space<hbm>>) dst(%arg6 : memref<8192xf32, #tpu.memory_space<vmem>>)
      tpu.yield
    }) : () -> ()
    "tpu.region"() ({
      %run_scoped3A = tpu.sem_alloc : memref<!tpu.dma_semaphore, #tpu.memory_space<semaphore_mem>>
      %dma_start3A = arith.constant 8 : i32
      %dma_start3A_115 = tpu.memref_slice %arg11[%dma_start3A] : memref<64xf32, #tpu.memory_space<vmem>> -> memref<16xf32, #tpu.memory_space<vmem>>
      %dma_start3A_116 = tpu.memref_slice %arg2[%mul3A_58] : memref<786432xf32, #tpu.memory_space<hbm>> -> memref<16xf32, #tpu.memory_space<hbm>>
      %dma_start3A_117 = arith.constant 8 : i32
      %dma_start3A_118 = tpu.memref_slice %arg11[%dma_start3A_117] : memref<64xf32, #tpu.memory_space<vmem>> -> memref<16xf32, #tpu.memory_space<vmem>>
      %dma_start3A_119 = tpu.memref_slice %arg2[%mul3A_58] : memref<786432xf32, #tpu.memory_space<hbm>> -> memref<16xf32, #tpu.memory_space<hbm>>
      tpu.enqueue_dma source(%dma_start3A_119 : memref<16xf32, #tpu.memory_space<hbm>>) target(%dma_start3A_118 : memref<16xf32, #tpu.memory_space<vmem>>) target_semaphore(%run_scoped3A : memref<!tpu.dma_semaphore, #tpu.memory_space<semaphore_mem>>)
      %dma_wait3A = arith.constant 8 : i32
      %dma_wait3A_120 = tpu.memref_slice %arg11[%dma_wait3A] : memref<64xf32, #tpu.memory_space<vmem>> -> memref<16xf32, #tpu.memory_space<vmem>>
      %dma_wait3A_121 = tpu.memref_slice %arg2[%mul3A_58] : memref<786432xf32, #tpu.memory_space<hbm>> -> memref<16xf32, #tpu.memory_space<hbm>>
      %dma_wait3A_122 = arith.constant 8 : i32
      %dma_wait3A_123 = tpu.memref_slice %arg11[%dma_wait3A_122] : memref<64xf32, #tpu.memory_space<vmem>> -> memref<16xf32, #tpu.memory_space<vmem>>
      %dma_wait3A_124 = tpu.memref_slice %arg2[%mul3A_58] : memref<786432xf32, #tpu.memory_space<hbm>> -> memref<16xf32, #tpu.memory_space<hbm>>
      tpu.wait_dma2 semaphore(%run_scoped3A : memref<!tpu.dma_semaphore, #tpu.memory_space<semaphore_mem>>) src(%dma_wait3A_124 : memref<16xf32, #tpu.memory_space<hbm>>) dst(%dma_wait3A_123 : memref<16xf32, #tpu.memory_space<vmem>>)
      tpu.yield
    }) : () -> ()
    %add3A_66 = arith.constant 32768 : i32
    %add3A_67 = arith.addi %mul3A_58, %add3A_66 : i32
    "tpu.region"() ({
      %run_scoped3A = tpu.sem_alloc : memref<!tpu.dma_semaphore, #tpu.memory_space<semaphore_mem>>
      %dma_start3A = arith.constant 24 : i32
      %dma_start3A_115 = tpu.memref_slice %arg11[%dma_start3A] : memref<64xf32, #tpu.memory_space<vmem>> -> memref<16xf32, #tpu.memory_space<vmem>>
      %dma_start3A_116 = tpu.memref_slice %arg2[%add3A_67] : memref<786432xf32, #tpu.memory_space<hbm>> -> memref<16xf32, #tpu.memory_space<hbm>>
      %dma_start3A_117 = arith.constant 24 : i32
      %dma_start3A_118 = tpu.memref_slice %arg11[%dma_start3A_117] : memref<64xf32, #tpu.memory_space<vmem>> -> memref<16xf32, #tpu.memory_space<vmem>>
      %dma_start3A_119 = tpu.memref_slice %arg2[%add3A_67] : memref<786432xf32, #tpu.memory_space<hbm>> -> memref<16xf32, #tpu.memory_space<hbm>>
      tpu.enqueue_dma source(%dma_start3A_119 : memref<16xf32, #tpu.memory_space<hbm>>) target(%dma_start3A_118 : memref<16xf32, #tpu.memory_space<vmem>>) target_semaphore(%run_scoped3A : memref<!tpu.dma_semaphore, #tpu.memory_space<semaphore_mem>>)
      %dma_wait3A = arith.constant 24 : i32
      %dma_wait3A_120 = tpu.memref_slice %arg11[%dma_wait3A] : memref<64xf32, #tpu.memory_space<vmem>> -> memref<16xf32, #tpu.memory_space<vmem>>
      %dma_wait3A_121 = tpu.memref_slice %arg2[%add3A_67] : memref<786432xf32, #tpu.memory_space<hbm>> -> memref<16xf32, #tpu.memory_space<hbm>>
      %dma_wait3A_122 = arith.constant 24 : i32
      %dma_wait3A_123 = tpu.memref_slice %arg11[%dma_wait3A_122] : memref<64xf32, #tpu.memory_space<vmem>> -> memref<16xf32, #tpu.memory_space<vmem>>
      %dma_wait3A_124 = tpu.memref_slice %arg2[%add3A_67] : memref<786432xf32, #tpu.memory_space<hbm>> -> memref<16xf32, #tpu.memory_space<hbm>>
      tpu.wait_dma2 semaphore(%run_scoped3A : memref<!tpu.dma_semaphore, #tpu.memory_space<semaphore_mem>>) src(%dma_wait3A_124 : memref<16xf32, #tpu.memory_space<hbm>>) dst(%dma_wait3A_123 : memref<16xf32, #tpu.memory_space<vmem>>)
      tpu.yield
    }) : () -> ()
    %add3A_68 = arith.constant 65536 : i32
    %add3A_69 = arith.addi %mul3A_58, %add3A_68 : i32
    "tpu.region"() ({
      %run_scoped3A = tpu.sem_alloc : memref<!tpu.dma_semaphore, #tpu.memory_space<semaphore_mem>>
      %dma_start3A = arith.constant 40 : i32
      %dma_start3A_115 = tpu.memref_slice %arg11[%dma_start3A] : memref<64xf32, #tpu.memory_space<vmem>> -> memref<16xf32, #tpu.memory_space<vmem>>
      %dma_start3A_116 = tpu.memref_slice %arg2[%add3A_69] : memref<786432xf32, #tpu.memory_space<hbm>> -> memref<16xf32, #tpu.memory_space<hbm>>
      %dma_start3A_117 = arith.constant 40 : i32
      %dma_start3A_118 = tpu.memref_slice %arg11[%dma_start3A_117] : memref<64xf32, #tpu.memory_space<vmem>> -> memref<16xf32, #tpu.memory_space<vmem>>
      %dma_start3A_119 = tpu.memref_slice %arg2[%add3A_69] : memref<786432xf32, #tpu.memory_space<hbm>> -> memref<16xf32, #tpu.memory_space<hbm>>
      tpu.enqueue_dma source(%dma_start3A_119 : memref<16xf32, #tpu.memory_space<hbm>>) target(%dma_start3A_118 : memref<16xf32, #tpu.memory_space<vmem>>) target_semaphore(%run_scoped3A : memref<!tpu.dma_semaphore, #tpu.memory_space<semaphore_mem>>)
      %dma_wait3A = arith.constant 40 : i32
      %dma_wait3A_120 = tpu.memref_slice %arg11[%dma_wait3A] : memref<64xf32, #tpu.memory_space<vmem>> -> memref<16xf32, #tpu.memory_space<vmem>>
      %dma_wait3A_121 = tpu.memref_slice %arg2[%add3A_69] : memref<786432xf32, #tpu.memory_space<hbm>> -> memref<16xf32, #tpu.memory_space<hbm>>
      %dma_wait3A_122 = arith.constant 40 : i32
      %dma_wait3A_123 = tpu.memref_slice %arg11[%dma_wait3A_122] : memref<64xf32, #tpu.memory_space<vmem>> -> memref<16xf32, #tpu.memory_space<vmem>>
      %dma_wait3A_124 = tpu.memref_slice %arg2[%add3A_69] : memref<786432xf32, #tpu.memory_space<hbm>> -> memref<16xf32, #tpu.memory_space<hbm>>
      tpu.wait_dma2 semaphore(%run_scoped3A : memref<!tpu.dma_semaphore, #tpu.memory_space<semaphore_mem>>) src(%dma_wait3A_124 : memref<16xf32, #tpu.memory_space<hbm>>) dst(%dma_wait3A_123 : memref<16xf32, #tpu.memory_space<vmem>>)
      tpu.yield
    }) : () -> ()
    %broadcast_in_dim3A = arith.constant 8 : i32
    %broadcast_in_dim3A_70 = vector.broadcast %broadcast_in_dim3A : i32 to vector<16xi32>
    %gather3A = tpu.vector_load_idx %arg11[%broadcast_in_dim3A_70] : memref<64xf32, #tpu.memory_space<vmem>>[vector<16xi32>], vector<16xf32>,
    %broadcast_in_dim3A_71 = arith.constant 24 : i32
    %broadcast_in_dim3A_72 = vector.broadcast %broadcast_in_dim3A_71 : i32 to vector<16xi32>
    %gather3A_73 = tpu.vector_load_idx %arg11[%broadcast_in_dim3A_72] : memref<64xf32, #tpu.memory_space<vmem>>[vector<16xi32>], vector<16xf32>,
    %broadcast_in_dim3A_74 = arith.constant 40 : i32
    %broadcast_in_dim3A_75 = vector.broadcast %broadcast_in_dim3A_74 : i32 to vector<16xi32>
    %gather3A_76 = tpu.vector_load_idx %arg11[%broadcast_in_dim3A_75] : memref<64xf32, #tpu.memory_space<vmem>>[vector<16xi32>], vector<16xf32>,
    %broadcast_in_dim3A_77 = arith.constant 0x7F800000 : f32
    %broadcast_in_dim3A_78 = vector.broadcast %broadcast_in_dim3A_77 : f32 to vector<16xf32>
    %scan3A = arith.constant 0 : i32
    %scan3A_79 = arith.constant 0 : i32
    %scan3A_80 = arith.constant 512 : i32
    %scan3A_81 = arith.addi %scan3A_79, %scan3A_80 : i32
    %scan3A_82 = arith.constant 1 : i32
    %scan3A_83 = scf.for %scan3A_115 = %scan3A_79 to %scan3A_81 step %scan3A_82 iter_args(%scan3A_116 = %scan3A) -> (i32)  : i32 {
      %mul3A_117 = arith.constant 16 : i32
      %mul3A_118 = arith.muli %scan3A_115, %mul3A_117 : i32
      %swap3A = arith.index_cast %mul3A_118 : i32 to index
      %swap3A_119 = tpu.vector_load %arg7[%swap3A] {strides = array<i32>} : memref<8192xf32, #tpu.memory_space<vmem>>, vector<16xf32>,
      tpu.vector_store %arg7[%swap3A], %broadcast_in_dim3A_78 {strides = array<i32>} : memref<8192xf32, #tpu.memory_space<vmem>>, vector<16xf32>,
      %scan3A_120 = arith.constant 0 : i32
      scf.yield %scan3A_120 : i32
    }
    %scan3A_84 = arith.constant 512 : i32
    %min3A = arith.constant 2 : i32
    %min3A_85 = vector.broadcast %min3A : i32 to vector<16xi32>
    %min3A_86 = arith.minsi %iota3A, %min3A_85 : vector<16xi32>
    %mul3A_87 = arith.constant 1024 : i32
    %mul3A_88 = vector.broadcast %mul3A_87 : i32 to vector<16xi32>
    %mul3A_89 = arith.muli %min3A_86, %mul3A_88 : vector<16xi32>
    %lt3A_90 = arith.constant 3 : i32
    %lt3A_91 = vector.broadcast %lt3A_90 : i32 to vector<16xi32>
    %lt3A_92 = arith.cmpi slt, %iota3A, %lt3A_91 : vector<16xi32>
    %eq3A_93 = arith.constant 0 : i32
    %eq3A_94 = arith.cmpi eq, %select_n3A_54, %eq3A_93 : i32
    %and3A_95 = vector.broadcast %eq3A_94 : i1 to vector<16xi1>
    %and3A_96 = arith.andi %lt3A_92, %and3A_95 : vector<16xi1>
    %eq3A_97 = arith.constant 0 : i32
    %eq3A_98 = vector.broadcast %eq3A_97 : i32 to vector<16xi32>
    %eq3A_99 = arith.cmpi eq, %iota3A, %eq3A_98 : vector<16xi32>
    %eq3A_100 = arith.constant 1 : i32
    %eq3A_101 = vector.broadcast %eq3A_100 : i32 to vector<16xi32>
    %eq3A_102 = arith.cmpi eq, %iota3A, %eq3A_101 : vector<16xi32>
    %select_n3A_103 = arith.select %eq3A_102, %gather3A_73, %gather3A_76 : vector<16xi1>, vector<16xf32>
    %select_n3A_104 = arith.select %eq3A_99, %gather3A, %select_n3A_103 : vector<16xi1>, vector<16xf32>
    tpu.vector_store_idx %arg8[%mul3A_89], %select_n3A_104 masked %and3A_96 : memref<3072xf32, #tpu.memory_space<vmem>>[vector<16xi32>], vector<16xf32>, vector<16xi1>
    %scan3A_105 = arith.constant 1 : i32
    %scan3A_106 = arith.constant 1023 : i32
    %scan3A_107 = arith.addi %scan3A_105, %scan3A_106 : i32
    %scan3A_108 = arith.constant 1 : i32
    %scan3A_109:3 = scf.for %scan3A_115 = %scan3A_105 to %scan3A_107 step %scan3A_108 iter_args(%scan3A_116 = %gather3A, %scan3A_117 = %gather3A_73, %scan3A_118 = %gather3A_76) -> (vector<16xf32>, vector<16xf32>, vector<16xf32>)  : i32 {
      %broadcast_in_dim3A_119 = arith.constant 0xFF800000 : f32
      %broadcast_in_dim3A_120 = vector.broadcast %broadcast_in_dim3A_119 : f32 to vector<16xf32>
      %broadcast_in_dim3A_121 = arith.constant 0.000000e+00 : f32
      %broadcast_in_dim3A_122 = vector.broadcast %broadcast_in_dim3A_121 : f32 to vector<16xf32>
      %parallel_loop3A = arith.constant 0 : i32
      %parallel_loop3A_123 = arith.constant 512 : i32
      %parallel_loop3A_124 = arith.constant 1 : i32
      %parallel_loop3A_125:3 = scf.for %parallel_loop3A_262 = %parallel_loop3A to %parallel_loop3A_123 step %parallel_loop3A_124 iter_args(%parallel_loop3A_263 = %broadcast_in_dim3A_120, %parallel_loop3A_264 = %broadcast_in_dim3A_122, %parallel_loop3A_265 = %convert_element_type3A) -> (vector<16xf32>, vector<16xf32>, vector<16xf32>)  : i32 {
        %parallel_loop3A_266 = arith.constant 16 : i32
        %parallel_loop3A_267 = arith.muli %parallel_loop3A_262, %parallel_loop3A_266 : i32
        %parallel_loop3A_268 = arith.index_cast %parallel_loop3A_267 : i32 to index
        %parallel_loop3A_269 = tpu.vector_load %arg4[%parallel_loop3A_268] {strides = array<i32>} : memref<8192xf32, #tpu.memory_space<vmem>>, vector<16xf32>,
        %parallel_loop3A_270 = arith.subf %parallel_loop3A_269, %scan3A_116 : vector<16xf32>
        %parallel_loop3A_271 = arith.index_cast %parallel_loop3A_267 : i32 to index
        %parallel_loop3A_272 = tpu.vector_load %arg5[%parallel_loop3A_271] {strides = array<i32>} : memref<8192xf32, #tpu.memory_space<vmem>>, vector<16xf32>,
        %parallel_loop3A_273 = arith.subf %parallel_loop3A_272, %scan3A_117 : vector<16xf32>
        %parallel_loop3A_274 = arith.index_cast %parallel_loop3A_267 : i32 to index
        %parallel_loop3A_275 = tpu.vector_load %arg6[%parallel_loop3A_274] {strides = array<i32>} : memref<8192xf32, #tpu.memory_space<vmem>>, vector<16xf32>,
        %parallel_loop3A_276 = arith.subf %parallel_loop3A_275, %scan3A_118 : vector<16xf32>
        %parallel_loop3A_277 = arith.mulf %parallel_loop3A_270, %parallel_loop3A_270 : vector<16xf32>
        %parallel_loop3A_278 = arith.mulf %parallel_loop3A_273, %parallel_loop3A_273 : vector<16xf32>
        %parallel_loop3A_279 = arith.addf %parallel_loop3A_277, %parallel_loop3A_278 : vector<16xf32>
        %parallel_loop3A_280 = arith.mulf %parallel_loop3A_276, %parallel_loop3A_276 : vector<16xf32>
        %parallel_loop3A_281 = arith.addf %parallel_loop3A_279, %parallel_loop3A_280 : vector<16xf32>
        %parallel_loop3A_282 = arith.index_cast %parallel_loop3A_267 : i32 to index
        %parallel_loop3A_283 = tpu.vector_load %arg7[%parallel_loop3A_282] {strides = array<i32>} : memref<8192xf32, #tpu.memory_space<vmem>>, vector<16xf32>,
        %parallel_loop3A_284 = arith.minimumf %parallel_loop3A_283, %parallel_loop3A_281 : vector<16xf32>
        %parallel_loop3A_285 = arith.index_cast %parallel_loop3A_267 : i32 to index
        %parallel_loop3A_286 = tpu.vector_load %arg7[%parallel_loop3A_285] {strides = array<i32>} : memref<8192xf32, #tpu.memory_space<vmem>>, vector<16xf32>,
        tpu.vector_store %arg7[%parallel_loop3A_285], %parallel_loop3A_284 {strides = array<i32>} : memref<8192xf32, #tpu.memory_space<vmem>>, vector<16xf32>,
        %parallel_loop3A_287 = arith.cmpf ogt, %parallel_loop3A_284, %parallel_loop3A_263 : vector<16xf32>
        %parallel_loop3A_288 = arith.select %parallel_loop3A_287, %parallel_loop3A_284, %parallel_loop3A_263 : vector<16xi1>, vector<16xf32>
        %parallel_loop3A_289 = arith.select %parallel_loop3A_287, %parallel_loop3A_265, %parallel_loop3A_264 : vector<16xi1>, vector<16xf32>
        %parallel_loop3A_290 = arith.constant 1.600000e+01 : f32
        %parallel_loop3A_291 = vector.broadcast %parallel_loop3A_290 : f32 to vector<16xf32>
        %parallel_loop3A_292 = arith.addf %parallel_loop3A_265, %parallel_loop3A_291 : vector<16xf32>
        scf.yield %parallel_loop3A_288, %parallel_loop3A_289, %parallel_loop3A_292 : vector<16xf32>, vector<16xf32>, vector<16xf32>
      } {sc.loop_unroll_factor = 4 : i64, sc.parallel_access}
      %reduce_max3A = arith.constant true
      %reduce_max3A_126 = vector.broadcast %reduce_max3A : i1 to vector<16xi1>
      %reduce_max3A_127 = tpu.scan <max>, %parallel_loop3A_125#0 masked %reduce_max3A_126 : vector<16xf32>, vector<16xi1> -> vector<16xf32>
      %reduce_max3A_128 = vector.extract %reduce_max3A_127[15] : f32 from vector<16xf32>
      %eq3A_129 = vector.broadcast %reduce_max3A_128 : f32 to vector<16xf32>
      %eq3A_130 = arith.cmpf oeq, %parallel_loop3A_125#0, %eq3A_129 : vector<16xf32>
      %jit3A_131 = arith.constant 3.000000e+38 : f32
      %broadcast_in_dim3A_132 = vector.broadcast %jit3A_131 : f32 to vector<16xf32>
      %select_n3A_133 = arith.select %eq3A_130, %parallel_loop3A_125#1, %broadcast_in_dim3A_132 : vector<16xi1>, vector<16xf32>
      %reduce_min3A = arith.constant true
      %reduce_min3A_134 = vector.broadcast %reduce_min3A : i1 to vector<16xi1>
      %reduce_min3A_135 = tpu.scan <min>, %select_n3A_133 masked %reduce_min3A_134 : vector<16xf32>, vector<16xi1> -> vector<16xf32>
      %reduce_min3A_136 = vector.extract %reduce_min3A_135[15] : f32 from vector<16xf32>
      %convert_element_type3A_137 = arith.sitofp %mul3A_56 : i32 to f32
      %add3A_138 = arith.addf %reduce_min3A_136, %convert_element_type3A_137 : f32
      %broadcast_in_dim3A_139 = vector.broadcast %reduce_min3A_136 : f32 to vector<16xf32>
      %convert_element_type3A_140 = arith.fptosi %broadcast_in_dim3A_139 : vector<16xf32> to vector<16xi32>
      %gather3A_141 = tpu.vector_load_idx %arg4[%convert_element_type3A_140] : memref<8192xf32, #tpu.memory_space<vmem>>[vector<16xi32>], vector<16xf32>,
      %gather3A_142 = tpu.vector_load_idx %arg5[%convert_element_type3A_140] : memref<8192xf32, #tpu.memory_space<vmem>>[vector<16xi32>], vector<16xf32>,
      %gather3A_143 = tpu.vector_load_idx %arg6[%convert_element_type3A_140] : memref<8192xf32, #tpu.memory_space<vmem>>[vector<16xi32>], vector<16xf32>,
      %eq3A_144 = arith.constant 0 : i32
      %eq3A_145 = vector.broadcast %eq3A_144 : i32 to vector<16xi32>
      %eq3A_146 = arith.cmpi eq, %iota3A, %eq3A_145 : vector<16xi32>
      %broadcast_in_dim3A_147 = vector.broadcast %reduce_max3A_128 : f32 to vector<16xf32>
      %eq3A_148 = arith.constant 1 : i32
      %eq3A_149 = vector.broadcast %eq3A_148 : i32 to vector<16xi32>
      %eq3A_150 = arith.cmpi eq, %iota3A, %eq3A_149 : vector<16xi32>
      %broadcast_in_dim3A_151 = vector.broadcast %add3A_138 : f32 to vector<16xf32>
      %eq3A_152 = arith.constant 2 : i32
      %eq3A_153 = vector.broadcast %eq3A_152 : i32 to vector<16xi32>
      %eq3A_154 = arith.cmpi eq, %iota3A, %eq3A_153 : vector<16xi32>
      %eq3A_155 = arith.constant 3 : i32
      %eq3A_156 = vector.broadcast %eq3A_155 : i32 to vector<16xi32>
      %eq3A_157 = arith.cmpi eq, %iota3A, %eq3A_156 : vector<16xi32>
      %select_n3A_158 = arith.select %eq3A_157, %gather3A_142, %gather3A_143 : vector<16xi1>, vector<16xf32>
      %select_n3A_159 = arith.select %eq3A_154, %gather3A_141, %select_n3A_158 : vector<16xi1>, vector<16xf32>
      %select_n3A_160 = arith.select %eq3A_150, %broadcast_in_dim3A_151, %select_n3A_159 : vector<16xi1>, vector<16xf32>
      %select_n3A_161 = arith.select %eq3A_146, %broadcast_in_dim3A_147, %select_n3A_160 : vector<16xi1>, vector<16xf32>
      %swap3A = arith.constant 0 : index
      %swap3A_162 = tpu.vector_load %arg10[%swap3A] {strides = array<i32>} : memref<16xf32, #tpu.memory_space<vmem>>, vector<16xf32>,
      tpu.vector_store %arg10[%swap3A], %select_n3A_161 {strides = array<i32>} : memref<16xf32, #tpu.memory_space<vmem>>, vector<16xf32>,
      %rem3A_163 = arith.constant 2 : i32
      %rem3A_164 = arith.remsi %scan3A_115, %rem3A_163 : i32
      %mul3A_165 = arith.constant 256 : i32
      %mul3A_166 = arith.muli %rem3A_164, %mul3A_165 : i32
      %mul3A_167 = arith.constant 64 : i32
      %mul3A_168 = arith.muli %select_n3A_40, %mul3A_167 : i32
      %add3A_169 = arith.addi %mul3A_166, %mul3A_168 : i32
      %mul3A_170 = arith.constant 16 : i32
      %mul3A_171 = arith.muli %select_n3A_54, %mul3A_170 : i32
      %add3A_172 = arith.addi %add3A_169, %mul3A_171 : i32
      "tpu.region"() ({
        %run_scoped3A = tpu.sem_alloc : memref<!tpu.dma_semaphore, #tpu.memory_space<semaphore_mem>>
        %dma_start3A = tpu.memref_slice %arg12[%add3A_172] : memref<512xf32, #tpu.memory_space<vmem_shared>> -> memref<16xf32, #tpu.memory_space<vmem_shared>>
        %dma_start3A_262 = tpu.memref_slice %arg12[%add3A_172] : memref<512xf32, #tpu.memory_space<vmem_shared>> -> memref<16xf32, #tpu.memory_space<vmem_shared>>
        tpu.enqueue_dma source(%arg10 : memref<16xf32, #tpu.memory_space<vmem>>) target(%dma_start3A_262 : memref<16xf32, #tpu.memory_space<vmem_shared>>) target_semaphore(%run_scoped3A : memref<!tpu.dma_semaphore, #tpu.memory_space<semaphore_mem>>)
        %dma_wait3A = tpu.memref_slice %arg12[%add3A_172] : memref<512xf32, #tpu.memory_space<vmem_shared>> -> memref<16xf32, #tpu.memory_space<vmem_shared>>
        %dma_wait3A_263 = tpu.memref_slice %arg12[%add3A_172] : memref<512xf32, #tpu.memory_space<vmem_shared>> -> memref<16xf32, #tpu.memory_space<vmem_shared>>
        tpu.wait_dma2 semaphore(%run_scoped3A : memref<!tpu.dma_semaphore, #tpu.memory_space<semaphore_mem>>) src(%arg10 : memref<16xf32, #tpu.memory_space<vmem>>) dst(%dma_wait3A_263 : memref<16xf32, #tpu.memory_space<vmem_shared>>)
        tpu.yield
      }) : () -> ()
      %barrier3A = arith.constant 0 : index
      tpu.barrier barrier_id(%barrier3A)
      "tpu.region"() ({
        %run_scoped3A = tpu.sem_alloc : memref<!tpu.dma_semaphore, #tpu.memory_space<semaphore_mem>>
        %dma_start3A = tpu.memref_slice %arg12[%add3A_169] : memref<512xf32, #tpu.memory_space<vmem_shared>> -> memref<64xf32, #tpu.memory_space<vmem_shared>>
        %dma_start3A_262 = tpu.memref_slice %arg12[%add3A_169] : memref<512xf32, #tpu.memory_space<vmem_shared>> -> memref<64xf32, #tpu.memory_space<vmem_shared>>
        tpu.enqueue_dma source(%dma_start3A_262 : memref<64xf32, #tpu.memory_space<vmem_shared>>) target(%arg9 : memref<64xf32, #tpu.memory_space<vmem>>) target_semaphore(%run_scoped3A : memref<!tpu.dma_semaphore, #tpu.memory_space<semaphore_mem>>)
        %dma_wait3A = tpu.memref_slice %arg12[%add3A_169] : memref<512xf32, #tpu.memory_space<vmem_shared>> -> memref<64xf32, #tpu.memory_space<vmem_shared>>
        %dma_wait3A_263 = tpu.memref_slice %arg12[%add3A_169] : memref<512xf32, #tpu.memory_space<vmem_shared>> -> memref<64xf32, #tpu.memory_space<vmem_shared>>
        tpu.wait_dma2 semaphore(%run_scoped3A : memref<!tpu.dma_semaphore, #tpu.memory_space<semaphore_mem>>) src(%dma_wait3A_263 : memref<64xf32, #tpu.memory_space<vmem_shared>>) dst(%arg9 : memref<64xf32, #tpu.memory_space<vmem>>)
        tpu.yield
      }) : () -> ()
      %min3A_173 = arith.constant 3 : i32
      %min3A_174 = vector.broadcast %min3A_173 : i32 to vector<16xi32>
      %min3A_175 = arith.minsi %iota3A, %min3A_174 : vector<16xi32>
      %mul3A_176 = arith.constant 16 : i32
      %mul3A_177 = vector.broadcast %mul3A_176 : i32 to vector<16xi32>
      %mul3A_178 = arith.muli %min3A_175, %mul3A_177 : vector<16xi32>
      %gather3A_179 = tpu.vector_load_idx %arg9[%mul3A_178] : memref<64xf32, #tpu.memory_space<vmem>>[vector<16xi32>], vector<16xf32>,
      %add3A_180 = arith.constant 1 : i32
      %add3A_181 = vector.broadcast %add3A_180 : i32 to vector<16xi32>
      %add3A_182 = arith.addi %mul3A_178, %add3A_181 : vector<16xi32>
      %gather3A_183 = tpu.vector_load_idx %arg9[%add3A_182] : memref<64xf32, #tpu.memory_space<vmem>>[vector<16xi32>], vector<16xf32>,
      %lt3A_184 = arith.constant 4 : i32
      %lt3A_185 = vector.broadcast %lt3A_184 : i32 to vector<16xi32>
      %lt3A_186 = arith.cmpi slt, %iota3A, %lt3A_185 : vector<16xi32>
      %jit3A_187 = arith.constant 0xFF800000 : f32
      %broadcast_in_dim3A_188 = vector.broadcast %jit3A_187 : f32 to vector<16xf32>
      %select_n3A_189 = arith.select %lt3A_186, %gather3A_179, %broadcast_in_dim3A_188 : vector<16xi1>, vector<16xf32>
      %reduce_max3A_190 = arith.constant true
      %reduce_max3A_191 = vector.broadcast %reduce_max3A_190 : i1 to vector<16xi1>
      %reduce_max3A_192 = tpu.scan <max>, %select_n3A_189 masked %reduce_max3A_191 : vector<16xf32>, vector<16xi1> -> vector<16xf32>
      %reduce_max3A_193 = vector.extract %reduce_max3A_192[15] : f32 from vector<16xf32>
      %eq3A_194 = vector.broadcast %reduce_max3A_193 : f32 to vector<16xf32>
      %eq3A_195 = arith.cmpf oeq, %gather3A_179, %eq3A_194 : vector<16xf32>
      %and3A_196 = arith.andi %lt3A_186, %eq3A_195 : vector<16xi1>
      %jit3A_197 = arith.constant 3.000000e+38 : f32
      %broadcast_in_dim3A_198 = vector.broadcast %jit3A_197 : f32 to vector<16xf32>
      %select_n3A_199 = arith.select %and3A_196, %gather3A_183, %broadcast_in_dim3A_198 : vector<16xi1>, vector<16xf32>
      %reduce_min3A_200 = arith.constant true
      %reduce_min3A_201 = vector.broadcast %reduce_min3A_200 : i1 to vector<16xi1>
      %reduce_min3A_202 = tpu.scan <min>, %select_n3A_199 masked %reduce_min3A_201 : vector<16xf32>, vector<16xi1> -> vector<16xf32>
      %reduce_min3A_203 = vector.extract %reduce_min3A_202[15] : f32 from vector<16xf32>
      %broadcast_in_dim3A_204 = vector.broadcast %reduce_min3A_203 : f32 to vector<16xf32>
      %convert_element_type3A_205 = arith.fptosi %broadcast_in_dim3A_204 : vector<16xf32> to vector<16xi32>
      %jit3A_206 = arith.constant 8192 : i32
      %div3A_207 = vector.broadcast %jit3A_206 : i32 to vector<16xi32>
      %div3A_208 = arith.divsi %convert_element_type3A_205, %div3A_207 : vector<16xi32>
      %sign3A_209 = arith.constant 0 : i32
      %sign3A_210 = vector.broadcast %sign3A_209 : i32 to vector<16xi32>
      %sign3A_211 = arith.cmpi sgt, %convert_element_type3A_205, %sign3A_210 : vector<16xi32>
      %sign3A_212 = arith.extui %sign3A_211 : vector<16xi1> to vector<16xi32>
      %sign3A_213 = arith.constant 0 : i32
      %sign3A_214 = vector.broadcast %sign3A_213 : i32 to vector<16xi32>
      %sign3A_215 = arith.cmpi slt, %convert_element_type3A_205, %sign3A_214 : vector<16xi32>
      %sign3A_216 = arith.extui %sign3A_215 : vector<16xi1> to vector<16xi32>
      %sign3A_217 = arith.subi %sign3A_212, %sign3A_216 : vector<16xi32>
      %sign3A_218 = arith.constant 0 : i32
      %sign3A_219 = arith.cmpi sgt, %jit3A_206, %sign3A_218 : i32
      %sign3A_220 = arith.extui %sign3A_219 : i1 to i32
      %sign3A_221 = arith.constant 0 : i32
      %sign3A_222 = arith.cmpi slt, %jit3A_206, %sign3A_221 : i32
      %sign3A_223 = arith.extui %sign3A_222 : i1 to i32
      %sign3A_224 = arith.subi %sign3A_220, %sign3A_223 : i32
      %ne3A_225 = vector.broadcast %sign3A_224 : i32 to vector<16xi32>
      %ne3A_226 = arith.cmpi ne, %sign3A_217, %ne3A_225 : vector<16xi32>
      %rem3A_227 = vector.broadcast %jit3A_206 : i32 to vector<16xi32>
      %rem3A_228 = arith.remsi %convert_element_type3A_205, %rem3A_227 : vector<16xi32>
      %ne3A_229 = arith.constant 0 : i32
      %ne3A_230 = vector.broadcast %ne3A_229 : i32 to vector<16xi32>
      %ne3A_231 = arith.cmpi ne, %rem3A_228, %ne3A_230 : vector<16xi32>
      %and3A_232 = arith.andi %ne3A_226, %ne3A_231 : vector<16xi1>
      %sub3A_233 = arith.constant 1 : i32
      %sub3A_234 = vector.broadcast %sub3A_233 : i32 to vector<16xi32>
      %sub3A_235 = arith.subi %div3A_208, %sub3A_234 : vector<16xi32>
      %select_n3A_236 = arith.select %and3A_232, %sub3A_235, %div3A_208 : vector<16xi1>, vector<16xi32>
      %mul3A_237 = arith.constant 16 : i32
      %mul3A_238 = vector.broadcast %mul3A_237 : i32 to vector<16xi32>
      %mul3A_239 = arith.muli %select_n3A_236, %mul3A_238 : vector<16xi32>
      %add3A_240 = arith.constant 2 : i32
      %add3A_241 = vector.broadcast %add3A_240 : i32 to vector<16xi32>
      %add3A_242 = arith.addi %mul3A_239, %add3A_241 : vector<16xi32>
      %gather3A_243 = tpu.vector_load_idx %arg9[%add3A_242] : memref<64xf32, #tpu.memory_space<vmem>>[vector<16xi32>], vector<16xf32>,
      %add3A_244 = arith.constant 3 : i32
      %add3A_245 = vector.broadcast %add3A_244 : i32 to vector<16xi32>
      %add3A_246 = arith.addi %mul3A_239, %add3A_245 : vector<16xi32>
      %gather3A_247 = tpu.vector_load_idx %arg9[%add3A_246] : memref<64xf32, #tpu.memory_space<vmem>>[vector<16xi32>], vector<16xf32>,
      %add3A_248 = arith.constant 4 : i32
      %add3A_249 = vector.broadcast %add3A_248 : i32 to vector<16xi32>
      %add3A_250 = arith.addi %mul3A_239, %add3A_249 : vector<16xi32>
      %gather3A_251 = tpu.vector_load_idx %arg9[%add3A_250] : memref<64xf32, #tpu.memory_space<vmem>>[vector<16xi32>], vector<16xf32>,
      %eq3A_252 = arith.constant 0 : i32
      %eq3A_253 = vector.broadcast %eq3A_252 : i32 to vector<16xi32>
      %eq3A_254 = arith.cmpi eq, %iota3A, %eq3A_253 : vector<16xi32>
      %eq3A_255 = arith.constant 1 : i32
      %eq3A_256 = vector.broadcast %eq3A_255 : i32 to vector<16xi32>
      %eq3A_257 = arith.cmpi eq, %iota3A, %eq3A_256 : vector<16xi32>
      %select_n3A_258 = arith.select %eq3A_257, %gather3A_247, %gather3A_251 : vector<16xi1>, vector<16xf32>
      %select_n3A_259 = arith.select %eq3A_254, %gather3A_243, %select_n3A_258 : vector<16xi1>, vector<16xf32>
      %add3A_260 = vector.broadcast %scan3A_115 : i32 to vector<16xi32>
      %add3A_261 = arith.addi %mul3A_89, %add3A_260 : vector<16xi32>
      tpu.vector_store_idx %arg8[%add3A_261], %select_n3A_259 masked %and3A_96 : memref<3072xf32, #tpu.memory_space<vmem>>[vector<16xi32>], vector<16xf32>, vector<16xi1>
      scf.yield %gather3A_243, %gather3A_247, %gather3A_251 : vector<16xf32>, vector<16xf32>, vector<16xf32>
    }
    %scan3A_110 = arith.constant 1023 : i32
    %eq3A_111 = arith.constant 0 : i32
    %eq3A_112 = arith.cmpi eq, %select_n3A_54, %eq3A_111 : i32
    %convert_element_type3A_113 = arith.extui %eq3A_112 : i1 to i32
    %cond3A = arith.constant 0 : i32
    %cond3A_114 = arith.cmpi ne, %convert_element_type3A_113, %cond3A : i32
    scf.if %cond3A_114 {
      %mul3A_115 = arith.constant 3072 : i32
      %mul3A_116 = arith.muli %add3A, %mul3A_115 : i32
      "tpu.region"() ({
        %run_scoped3A = tpu.sem_alloc : memref<!tpu.dma_semaphore, #tpu.memory_space<semaphore_mem>>
        %dma_start3A = tpu.memref_slice %arg3[%mul3A_116] : memref<24576xf32, #tpu.memory_space<hbm>> -> memref<3072xf32, #tpu.memory_space<hbm>>
        %dma_start3A_117 = tpu.memref_slice %arg3[%mul3A_116] : memref<24576xf32, #tpu.memory_space<hbm>> -> memref<3072xf32, #tpu.memory_space<hbm>>
        tpu.enqueue_dma source(%arg8 : memref<3072xf32, #tpu.memory_space<vmem>>) target(%dma_start3A_117 : memref<3072xf32, #tpu.memory_space<hbm>>) target_semaphore(%run_scoped3A : memref<!tpu.dma_semaphore, #tpu.memory_space<semaphore_mem>>)
        %dma_wait3A = tpu.memref_slice %arg3[%mul3A_116] : memref<24576xf32, #tpu.memory_space<hbm>> -> memref<3072xf32, #tpu.memory_space<hbm>>
        %dma_wait3A_118 = tpu.memref_slice %arg3[%mul3A_116] : memref<24576xf32, #tpu.memory_space<hbm>> -> memref<3072xf32, #tpu.memory_space<hbm>>
        tpu.wait_dma2 semaphore(%run_scoped3A : memref<!tpu.dma_semaphore, #tpu.memory_space<semaphore_mem>>) src(%arg8 : memref<3072xf32, #tpu.memory_space<vmem>>) dst(%dma_wait3A_118 : memref<3072xf32, #tpu.memory_space<hbm>>)
        tpu.yield
      }) : () -> ()
    } else {
    }
    return
  }
}

</mosaic_0001>

<sc_bundles>
// kernel: kernel.3.cloned.1.call-start
scs
__scs_entry_jumppad:
0x0: {  	(pc) =	sbr.rel $0x88, $3  }
0x1: {  	(tag) =	ssettag $0x0;
	lr =	simm.s32 $0x1  }
0x2: {  	[smem:$0x3FA0] =	sst lr;
	_ =	strace $0xD0000000  }
0x3: {  	_ = 	snop  }
0x4: {  	_ = 	snop  }
0x5: {  	_ = 	snop  }
0x6: {  	_ = 	snop  }
0x7: {  	_ = 	snop  }
__scs_overlays_trampoline_lowered:
0x8: {  	[smem:$0x3FAF] =	sst s0  }
0x9: {  	[smem:$0x3FB0] =	sst s1  }
0xa: {  	[smem:$0x3FB1] =	sst s2  }
0xb: {  	[smem:$0x3FB2] =	sst s3  }
0xc: {  	[smem:$0x3FB3] =	sst s4  }
0xd: {  	[smem:$0x3FB4] =	sst s5  }
0xe: {  	[smem:$0x3FB5] =	sst s6  }
0xf: {  	[smem:$0x3FB6] =	sst s7  }
0x10: {  	[smem:$0x3FB7] =	sst s8  }
0x11: {  	[smem:$0x3FB8] =	sst s9;
	s0 =	simm.s32 @!p0 $0x0  }
0x12: {  	s1 =	sld [smem:$0x3F9E];
	s0 =	simm.s32 @p0 $0x1  }
0x13: {  	[smem:$0x3FB9] =	sst s0;
	s0 =	simm.s32 @!p1 $0x0  }
0x14: {  	s2 =	sld [smem:$0x3F9D];
	s0 =	simm.s32 @p1 $0x1  }
0x15: {  	[smem:$0x3FBA] =	sst s0;
	s0 =	simm.s32 @!p2 $0x0  }
0x16: {  	s3 =	sld [smem:$0x3FDB];
	s0 =	simm.s32 @p2 $0x1  }
0x17: {  	s4 =	simm.s32 $0x1BF5;
	[smem:$0x3FBC] =	sst s0  }
0x18: {  	s0 =	sld [smem:$0x3F9F];
	_ =	swait.ge [sflag:s4], $0x0  }
0x19: {  	s7 =	sld [smem:$0x3FA0]  }
0x1a: {  	s8 =	sadd.s32 $0xFFFFE003, lr  }
0x1b: {  	s9 =	sadd.s32 $0xFFFFFEF7, lr;
	s5 =	simm.s32 $0xFFFFFFFF;
	p2 =	slt.u32 s8, $0xFFFFF086  }
0x1c: {  	p1 =	slt.u32 s9, $0xF7A;
	s5 =	simm.s32 @!p2 $0x0  }
0x1d: {  	s5 =	simm.s32 @p1 $0x1;
	p0 =	seq.s32 s7, s2  }
0x1e: {  	s7 =	smul.u32 @!p0 $0xF7A, s2;
	p2 =	seq.s32 @!p0 s5, $0x0  }
0x1f: {  	s9 =	smul.u32 $0xF7A, s1;
	s8 =	simm.s32 @!p0 $0x1BF5;
	p2 =	por !p2, p0  }
0x20: {  	[sflag:s8] =	ssyncset.s32 @!p0 $0xFFFFF086;
	s6 =	sadd.s32 @!p0 s3, s7;
	s7 =	simm.s32 @!p0 $0x108  }
0x21: {  	s3 =	sadd.s32 s3, s9;
	s6 =	sadd.s32 @!p0 $0x88, s6;
	s7 =	simm.s32 @p2 $0x1082  }
0x22: {  	[simem:s7], [sflag:s8] =	dma.local @!p0 [hbm:s6], $0xF7A  }
0x23: {  	s9 =	sor.u32 $0xD0000000, s2;
	s6 =	simm.s32 $0x108;
	_ =	swait.ge @!p0 [sflag:s8], $0x0  }
0x24: {  	s3 =	sadd.s32 $0x88, s3;
	s6 =	simm.s32 @!p1 $0x1082;
	[sflag:s4] =	ssyncset.s32 $0xFFFFF086  }
0x25: {  	[simem:s6], [sflag:s4] =	dma.local [hbm:s3], $0xF7A  }
0x26: {  	[smem:$0x3FA0] =	sst s1;
	(tag) =	ssettag s2;
	_ =	strace s9  }
0x27: {  	s1 =	sld [smem:$0x3FB0]  }
0x28: {  	s2 =	sld [smem:$0x3FB1]  }
0x29: {  	s4 =	sld [smem:$0x3FB3]  }
0x2a: {  	p0 =	seq.s32 s5, $0x0;
	s5 =	sld [smem:$0x3FB4]  }
0x2b: {  	s6 =	sld [smem:$0x3FB5]  }
0x2c: {  	s7 =	sld [smem:$0x3FB6]  }
0x2d: {  	s3 =	simm.s32 $0x108;
	s8 =	sld [smem:$0x3FB7]  }
0x2e: {  	s3 =	simm.s32 @!p0 $0x1082;
	s9 =	sld [smem:$0x3FB8]  }
0x2f: {  	lr =	sadd.s32 s0, s3;
	s0 =	sld [smem:$0x3FAF]  }
0x30: {  	s3 =	sld [smem:$0x3FB2]  }
0x31: {  	[smem:$0x3FBB] =	sst s10  }
0x32: {  	s10 =	sld [smem:$0x3FB9];
	_ =	sdelay $0x3  }
0x33: {  	p0 =	seq.s32 s10, $0x1;
	s10 =	sld [smem:$0x3FBB];
	_ =	sdelay $0x3  }
0x34: {  	[smem:$0x3FBB] =	sst s10  }
0x35: {  	s10 =	sld [smem:$0x3FBA];
	_ =	sdelay $0x3  }
0x36: {  	p1 =	seq.s32 s10, $0x1;
	s10 =	sld [smem:$0x3FBB];
	_ =	sdelay $0x3  }
0x37: {  	[smem:$0x3FBB] =	sst s10  }
0x38: {  	s10 =	sld [smem:$0x3FBC]  }
0x39: {  	_ = 	snop;
	(pc) =	sbr.ind lr, $3  }
0x3a: {  	_ = 	snop  }
0x3b: {  	_ = 	snop  }
0x3c: {  	p2 =	seq.s32 s10, $0x1;
	s10 =	sld [smem:$0x3FBB]  }
0x3d: {  	_ =	shalt  }
0x3e: {  	_ =	shalt  }
0x3f: {  	_ =	shalt  }
0x40: {  	_ =	shalt  }
0x41: {  	_ =	shalt  }
0x42: {  	_ =	shalt  }
0x43: {  	_ =	shalt  }
0x44: {  	_ =	shalt  }
0x45: {  	_ =	shalt  }
0x46: {  	_ =	shalt  }
0x47: {  	_ =	shalt  }
0x48: {  	_ =	shalt  }
0x49: {  	_ =	shalt  }
0x4a: {  	_ =	shalt  }
0x4b: {  	_ =	shalt  }
0x4c: {  	_ =	shalt  }
0x4d: {  	_ =	shalt  }
0x4e: {  	_ =	shalt  }
0x4f: {  	_ =	shalt  }
0x50: {  	_ =	shalt  }
0x51: {  	_ =	shalt  }
0x52: {  	_ =	shalt  }
0x53: {  	_ =	shalt  }
0x54: {  	_ =	shalt  }
0x55: {  	_ =	shalt  }
0x56: {  	_ =	shalt  }
0x57: {  	_ =	shalt  }
0x58: {  	_ =	shalt  }
0x59: {  	_ =	shalt  }
0x5a: {  	_ =	shalt  }
0x5b: {  	_ =	shalt  }
0x5c: {  	_ =	shalt  }
0x5d: {  	_ =	shalt  }
0x5e: {  	_ =	shalt  }
0x5f: {  	_ =	shalt  }
0x60: {  	_ =	shalt  }
0x61: {  	_ =	shalt  }
0x62: {  	_ =	shalt  }
0x63: {  	_ =	shalt  }
0x64: {  	_ =	shalt  }
0x65: {  	_ =	shalt  }
0x66: {  	_ =	shalt  }
0x67: {  	_ =	shalt  }
0x68: {  	_ =	shalt  }
0x69: {  	_ =	shalt  }
0x6a: {  	_ =	shalt  }
0x6b: {  	_ =	shalt  }
0x6c: {  	_ =	shalt  }
0x6d: {  	_ =	shalt  }
0x6e: {  	_ =	shalt  }
0x6f: {  	_ =	shalt  }
0x70: {  	_ =	shalt  }
0x71: {  	_ =	shalt  }
0x72: {  	_ =	shalt  }
0x73: {  	_ =	shalt  }
0x74: {  	_ =	shalt  }
0x75: {  	_ =	shalt  }
0x76: {  	_ =	shalt  }
0x77: {  	_ =	shalt  }
0x78: {  	_ =	shalt  }
0x79: {  	_ =	shalt  }
0x7a: {  	_ =	shalt  }
0x7b: {  	_ =	shalt  }
0x7c: {  	_ =	shalt  }
0x7d: {  	_ =	shalt  }
0x7e: {  	_ =	shalt  }
0x7f: {  	_ =	shalt  }
0x80: {  	_ =	shalt  }
0x81: {  	_ =	shalt  }
0x82: {  	_ =	shalt  }
0x83: {  	_ =	shalt  }
0x84: {  	_ =	shalt  }
0x85: {  	_ =	shalt  }
0x86: {  	_ =	shalt  }
0x87: {  	_ =	shalt  }
.Lfunc_end0:
.L_simem_size_0:
called_computation_lowered:
.L_overlay_start_0:
0x88: {  	s2 =	sld [smem:$0x3FD9]  }
0x89: {  	s3 =	sld [smem:$0x3FFE];
	_ =	sdelay $0x1  }
0x8a: {  	s1 =	srdreg.scid  }
0x8b: {  	s0 =	sand.u32 $0x1, s1  }
0x8c: {  	s17 =	sshll.u32 s0, $0xA;
	s2 =	sadd.s32 s3, s2  }
0x8d: {  	s2 =	sadd.s32 s2, s17  }
0x8e: {  	[smem:$0x3FC7] =	sst s2  }
0x8f: {  	_ = 	snop  }
0x90: {  	s2 =	sld [smem:$0x3FD0];
	(tm) =	ssettm $0x1  }
0x91: {  	s18 =	sld [smem:$0x3FFB];
	_ =	sdelay $0x3  }
0x92: {  	_ =	strace s18  }
0x93: {  	s3 =	sld [smem:$0x3FFC];
	_ =	sdelay $0x3  }
0x94: {  	_ =	strace s3  }
0x95: {  	s3 =	sld [smem:$0x3FFD];
	_ =	sdelay $0x3  }
0x96: {  	_ =	strace s3  }
0x97: {  	_ =	strace $0x8FFFFFFF  }
0x98: {  	s19 =	sld [smem:$0x3FDB];
	_ =	sdelay $0x1  }
0x99: {  	s4 =	simm.s32 $_scs_section_size  }
0x9a: {  	s5 =	simm.s32 $_size__tile_overlayer_lowered;
	s6 =	simm.s32 $_tile_overlayer_lowered  }
0x9b: {  	s22 =	simm.s32 $0x1BFF;
	s21 =	sshll.u32 s6, $0x1;
	s3 =	sadd.s32 s4, s19  }
0x9c: {  	s7 =	simm.s32 $0x0;
	s20 =	sshll.u32 s5, $0x1;
	s5 =	sadd.s32 s21, s3  }
0x9d: {  	[timem:s7], [sflag:s22] =	dma.local [hbm:s5], s20  }
0x9e: {  	_ =	swait.ge [sflag:s22], s20  }
0x9f: {  	s4 =	ssub.s32 $0x0, s20;
	[sflag:s22] =	ssyncset.done $0x0  }
0xa0: {  	[sflag:s22] =	ssyncadd.s32 s4;
	_ =	sdelay $0x1  }
0xa1: {  	s23 =	simm.s32 $0x1B8B  }
0xa2: {  	_ =	swait.ge [sflag:s23], $0x1  }
0xa3: {  	[sflag:s23] =	ssyncset.done $0x0  }
0xa4: {  	s25 =	simm.s32 $0x1B8E;
	s24 =	sld [smem:$0x3FFE];
	[sflag:s23] =	ssyncadd.s32 $0xFFFFFFFF  }
0xa5: {  	s26 =	simm.s32 $execute0_lowered;
	[smem:$0x3FD2] =	sst s25  }
0xa6: {  	s5 =	sshll.u32 s26, $0x1;
	_ =	strace $0x80000046;
	[dreg:$0x1] =	wrdreg $0xFFFFFFFF  }
0xa7: {  	s28 =	simm.s32 $_size_execute0_lowered;
	s3 =	sadd.s32 s3, s5;
	[dreg:$0x0] =	wrdreg $0x0  }
0xa8: {  	s5 =	sshll.u32 s28, $0x1;
	[dreg:$0x2] =	wrdreg s3  }
0xa9: {  	[dreg:$0x3] =	wrdreg s5  }
0xaa: {  	[dreg:$0x4] =	wrdreg $0xC0  }
0xab: {  	_ =	task [dreg:s7], $0x5FFFF  }
0xac: {  	[dreg:$0x1] =	wrdreg $0xFFFFFFFF  }
0xad: {  	[dreg:$0x0] =	wrdreg $0x60  }
0xae: {  	[dreg:$0x2] =	wrdreg s24  }
0xaf: {  	[dreg:$0x3] =	wrdreg s2  }
0xb0: {  	[dreg:$0x4] =	wrdreg $0x8D800  }
0xb1: {  	[dreg:$0x5] =	wrdreg $0x9  }
0xb2: {  	_ =	task.clear_ibuf [dreg:s7], $0x6FFFF;
	_ =	strace $0x90000046  }
0xb3: {  	s29 =	simm.s32 $0x9;
	_ =	strace $0x80000048  }
0xb4: {  	_ =	swait.ge [sflag:s29], $0x1  }
0xb5: {  	[sflag:s29] =	ssyncadd.s32 $0xFFFFFFFF  }
0xb6: {  	_ =	strace $0x90000048  }
0xb7: {  	_ =	sfence  }
0xb8: {  	s30 =	sld [smem:$0x0];
	_ =	sdelay $0x2  }
0xb9: {  	s31 =	sshll.u32 s1, $0xD;
	s1 =	sshrl.u32 s1, $0x2  }
0xba: {  	s3 =	sand.u32 $0x4000, s31;
	s1 =	sadd.s32 s1, s30  }
0xbb: {  	s0 =	sor.u32 s3, s0;
	s1 =	sshll.u32 s1, $0x11  }
0xbc: {  	s0 =	sor.u32 s1, s0  }
0xbd: {  	s0 =	sadd.s32 $0x8F2B, s0  }
0xbe: {  	[sflag:s0] =	ssyncadd.remote.s32 $0x1  }
0xbf: {  	_ =	sfence.sel $0xFFFF  }
0xc0: {  	[dreg:$0x0] =	wrdreg $0xFFFFFFFF;
	(pc) =	sbr.abs _section_cstart, $3  }
0xc1: {  	[dreg:$0x1] =	wrdreg $0xFFFFFFFF  }
0xc2: {  	_ =	task.clear_ibuf [dreg:s7], $0x2FFFF;
	_ =	strace $0x9FFFFFFF  }
0xc3: {  	(tm) =	ssettm $0x7FFFFFFF  }
tec
execute0_lowered:
.L_overlay_start_1:
0x0: {  	(tag) =	ssettag $0x1  }
0x1: {  	s0 =	stileid.u32;
	s3 =	rddreg [dreg:$0x0]  }
0x2: {  	s1 =	srdreg.scid;
	vm3 =	vcmask $0x300;
	v0 =	vimm.f32 $1.500000000e+01;
	s11 =	rddreg [dreg:$0x1]  }
0x3: {  	vm0 =	vmxor vm0, vm0;
	vm4 =	vcmask $0x704;
	s10 =	rddreg [dreg:$0x2];
	vm1 =	vcmask $0xB08;
	s2 =	simm.s32 $0x0;
	s16 =	simm.s32 $0x8D08  }
0x4: {  	vm2 =	vmmov $0x7;
	vm5 =	vcmask $0x2724;
	s17 =	simm.s32 $0x8D18;
	s18 =	simm.s32 $0x8D28;
	s19 =	simm.s32 $0x8D00;
	v0 =	vsel vm3, $0x0, v0  }
0x5: {  	v5 =	vimm.s32 $0x800;
	s20 =	simm.s32 $0x8000;
	s22 =	simm.s32 $0x8C80;
	s23 =	simm.s32 $0x8C00;
	v9 =	vimm.s32 $0x0;
	v0 =	vsel vm4, $0x3F800000, v0  }
0x6: {  	s24 =	sand.u32 $0x3, s0;
	s4 =	sand.u32 $0x1, s1;
	s1 =	rddreg [dreg:$0x3];
	v5 =	vsel vm3, $0x0, v5;
	v0 =	vsel vm1, $0x40000000, v0;
	vm1 =	vcmask $0xF0C  }
0x7: {  	s9 =	sshrl.u32 s0, $0x2;
	[smem:$0x7FF] =	sst s2;
	vm3 =	vcmask $0x3330;
	p0 =	seq.s32 s24, $0x0;
	v1 =	vsel vm1, $0x40400000, v0;
	vm1 =	vcmask $0x1310  }
0x8: {  	s8 =	sadd.s32 $0x400, s3;
	s5 =	sshll.u32 s4, $0x2;
	s4 =	ssub.s32 $0x2, s4;
	vm0 =	vmneg @p0 vm0;
	v2 =	vsel vm1, $0x40800000, v1;
	vm1 =	vcmask $0x1714  }
0x9: {  	_ =	strace $0x80000047;
	s14 =	sshll.u32 s24, $0xD;
	s31 =	sshll.u32 s9, $0x6;
	vm0 =	vmand vm0, vm2;
	v3 =	vsel vm1, $0x40A00000, v2;
	vm1 =	vcmask $0x1B18  }
0xa: {  	s21 =	sshll.u32 s24, $0x6;
	s12 =	sor.u32 s9, s5;
	s26 =	sshrl.u32 s4, $0x1;
	v0 =	vimm.s32 $0x8;
	v4 =	vsel vm1, $0x40C00000, v3;
	vm1 =	vcmask $0x1F1C  }
0xb: {  	s9 =	scvt.s32.f32 s14;
	s10 =	sadd.s32 s31, s10;
	s6 =	smul.u32 $0x18000, s12;
	vm2 =	vcmask $0x2320;
	v1 =	vimm.s32 $0x18;
	v4 =	vsel vm1, $0x40E00000, v4  }
0xc: {  	s21 =	sshrl.u32 s21, $0x2;
	p0 =	sne.s32 s24, $0x0;
	s24 =	simm.s32 $0x0;
	v2 =	vimm.s32 $0x28;
	v3 =	vimm.f32 $+Inf;
	v4 =	vsel vm2, $0x41000000, v4  }
0xd: {  	s13 =	ssub.s32 s4, s26;
	s12 =	smul.u32 $0x180, s12;
	s7 =	sadd.s32 $0x8000, s6;
	vm1 =	vcmask $0x3F08;
	v4 =	vsel vm5, $0x41100000, v4;
	vm5 =	vcmask $0x2B28  }
0xe: {  	s28 =	sor.u32 s14, s6;
	s15 =	sadd.s32 $0x10000, s6;
	s6 =	sshrl.u32 s6, $0x3;
	vm2 =	vmmov $0x1;
	v4 =	vsel vm5, $0x41200000, v4;
	vm5 =	vcmask $0x2F2C  }
0xf: {  	s11 =	sadd.s32 s11, s12;
	s12 =	smax.u32 s13, $0x1;
	s13 =	simm.s32 $0x1;
	v6 =	vsel vm5, $0x41300000, v4;
	v4 =	vsel vm4, $0x400, v5;
	vm5 =	vcmask $0xF00  }
0x10: {  	s29 =	sor.u32 s14, s7;
	s3 =	sshrl.u32 s28, $0x3;
	s30 =	sor.u32 s14, s15;
	vm4 =	vcmask $0x3F0C;
	v5 =	vsel vm3, $0x41400000, v6;
	v6 =	vimm.s32 $0x30201000  }
0x11: {  	s7 =	sshrl.u32 s7, $0x3;
	s6 =	sadd.s32 s8, s6;
	s15 =	sshrl.u32 s15, $0x3;
	vm3 =	vcmask $0x3734;
	v7 =	vunpack.c.0.s8.s32 v6;
	v6 =	vimm.s32 $0x31211101  }
0x12: {  	s14 =	simm.s32 $0x2000;
	s4 =	sshrl.u32 s29, $0x3;
	s3 =	sadd.s32 s8, s3;
	v5 =	vsel vm3, $0x41500000, v5;
	vm3 =	vcmask $0x3B38;
	v8 =	vunpack.c.0.s8.s32 v6  }
0x13: {  	s5 =	sshrl.u32 s30, $0x3;
	s7 =	sadd.s32 s8, s7;
	s4 =	sadd.s32 s8, s4;
	v5 =	vsel vm3, $0x41600000, v5;
	vm3 =	vcmask $0x3F10;
	v6 =	vlaneseq.u32  }
0x14: {  	s5 =	sadd.s32 s8, s5;
	s8 =	sadd.s32 s8, s15;
	s15 =	simm.s32 $0x4000;
	v7 =	vnsel vm5, $0x30, v7;
	v8 =	vnsel vm5, $0x31, v8;
	vm5 =	vmmov $0xf  }
.LBB2_1:
0x15: {  	[tilespmem:s2], [sflag:$0x1] =	stream.linear.gather [hbm4b:s3+s2], $0x2000, $0x38;
	[tilespmem:$0x8DA0] =	vst v63  }
0x16: {  	_ =	swait.ge [sflag:s13], $0x2000  }
0x17: {  	[sflag:s13] =	ssyncset.done $0x0  }
0x18: {  	[sflag:s13] =	ssyncadd.s32 $0xFFFFE000  }
0x19: {  	[tilespmem:s14], [sflag:$0x1] =	stream.linear.gather [hbm4b:s4+s2], $0x2000, $0x38;
	[tilespmem:$0x8DA0] =	vst v63  }
0x1a: {  	_ =	swait.ge [sflag:s13], $0x2000  }
0x1b: {  	[sflag:s13] =	ssyncset.done $0x0  }
0x1c: {  	[sflag:s13] =	ssyncadd.s32 $0xFFFFE000  }
0x1d: {  	[tilespmem:s15], [sflag:$0x1] =	stream.linear.gather [hbm4b:s5+s2], $0x2000, $0x38;
	[tilespmem:$0x8DA0] =	vst v63  }
0x1e: {  	_ =	swait.ge [sflag:s13], $0x2000  }
0x1f: {  	[sflag:s13] =	ssyncset.done $0x0  }
0x20: {  	[sflag:s13] =	ssyncadd.s32 $0xFFFFE000  }
0x21: {  	[tilespmem:s16], [sflag:$0x1] =	stream.linear.gather [hbm4b:s6+s2], $0x10, $0x38;
	[tilespmem:$0x8DA0] =	vst v63  }
0x22: {  	_ =	swait.ge [sflag:s13], $0x10  }
0x23: {  	[sflag:s13] =	ssyncset.done $0x0  }
0x24: {  	[sflag:s13] =	ssyncadd.s32 $0xFFFFFFF0  }
0x25: {  	[tilespmem:s17], [sflag:$0x1] =	stream.linear.gather [hbm4b:s7+s2], $0x10, $0x38;
	[tilespmem:$0x8DA0] =	vst v63  }
0x26: {  	_ =	swait.ge [sflag:s13], $0x10  }
0x27: {  	[sflag:s13] =	ssyncset.done $0x0  }
0x28: {  	[sflag:s13] =	ssyncadd.s32 $0xFFFFFFF0  }
0x29: {  	[tilespmem:s18], [sflag:$0x1] =	stream.linear.gather [hbm4b:s8+s2], $0x10, $0x38;
	[tilespmem:$0x8DA0] =	vst v63  }
0x2a: {  	_ =	swait.ge [sflag:s13], $0x10  }
0x2b: {  	[sflag:s13] =	ssyncset.done $0x0  }
0x2c: {  	[sflag:s13] =	ssyncadd.s32 $0xFFFFFFF0  }
0x2d: {  	v11 =	vld.idx.msk [tilespmem:v0+s19+$0x0], $0xffff  }
0x2e: {  	v10 =	vld.idx.msk [tilespmem:v1+s19+$0x0], $0xffff  }
0x2f: {  	s25 =	simm.s32 $0x40;
	s26 =	simm.s32 $0x0;
	v12 =	vld.idx.msk [tilespmem:v2+s19+$0x0], $0xffff  }
.LBB2_2:
0x30: {  	p1 =	sne.s32 s25, $0x7FC0;
	[tilespmem:s26+$0x6000] =	vst v3;
	s26 =	smov.u32 s25;
	s25 =	sadd.s32 $0x40, s25  }
.Ltmp0:
0x31: {  	(pc) =	sbr.rel @p1 .LBB2_2-.Ltmp0, $2  }
0x32: {  	_ =	sdelay $0x2  }
0x33: {  	s26 =	sshra.s32 s26, $0x2  }
0x34: {  	_ =	sdelay $0x2  }
0x35: {  	v13 =	vsel vm1, v12, v10  }
0x36: {  	[tilespmem:s26+$0x6000] =	vst v3;
	v13 =	vsel vm2, v11, v13  }
0x37: {  	s25 =	simm.s32 $0x1;
	[tilespmem:v4+s20+$0x0] =	vst.idx.msk vm0, v13  }
.LBB2_4:
0x38: {  	s26 =	simm.s32 $0x4020  }
0x39: {  	v13 =	vld [tilespmem:s26+$0x10]  }
0x3a: {  	s28 =	simm.s32 $0x20;
	v14 =	vld [tilespmem:s26+$0x0]  }
0x3b: {  	v15 =	vld [tilespmem:s28+$0x10]  }
0x3c: {  	v16 =	vld [tilespmem:s26+$0xFFFFFFF0]  }
0x3d: {  	v17 =	vld [tilespmem:s28+$0xFFFFFFF0]  }
0x3e: {  	s29 =	simm.s32 $0x2020;
	v18 =	vld [tilespmem:s28+$0xFFFFFFE0]  }
0x3f: {  	v19 =	vld [tilespmem:s29+$0xFFFFFFE0]  }
0x40: {  	v20 =	vld [tilespmem:s29+$0xFFFFFFF0]  }
0x41: {  	v21 =	vld [tilespmem:s26+$0xFFFFFFE0]  }
0x42: {  	v22 =	vld [tilespmem:s28+$0x0]  }
0x43: {  	v23 =	vld [tilespmem:s29+$0x0];
	v13 =	vsub.f32 v13, v12  }
0x44: {  	v25 =	vld [tilespmem:s29+$0x10];
	s28 =	simm.s32 $0x4060;
	v14 =	vsub.f32 v14, v12;
	v15 =	vsub.f32 v15, v11  }
0x45: {  	v30 =	vld [tilespmem:s28+$0x10];
	v16 =	vsub.f32 v16, v12;
	v18 =	vsub.f32 v18, v11  }
0x46: {  	s30 =	simm.s32 $0x6020;
	v19 =	vsub.f32 v19, v10;
	v17 =	vsub.f32 v17, v11  }
0x47: {  	v24 =	vimm.f32 $-Inf;
	v27 =	vld [tilespmem:s30+$0x10];
	v20 =	vsub.f32 v20, v10;
	v21 =	vsub.f32 v21, v12  }
0x48: {  	v26 =	vimm.f32 $0.0e+00;
	v28 =	vld [tilespmem:s30+$0x0];
	v22 =	vsub.f32 v22, v11;
	v23 =	vsub.f32 v23, v10  }
0x49: {  	v29 =	vld [tilespmem:s30+$0xFFFFFFE0];
	s26 =	simm.s32 $0x60;
	v25 =	vsub.f32 v25, v10;
	v18 =	vmul.f32 v18, v18;
	v19 =	vmul.f32 v19, v19  }
0x4a: {  	v31 =	vld [tilespmem:s26+$0x0];
	v30 =	vsub.f32 v30, v12;
	v17 =	vmul.f32 v17, v17;
	v20 =	vmul.f32 v20, v20  }
0x4b: {  	v34 =	vld [tilespmem:s28+$0xFFFFFFE0];
	v16 =	vmul.f32 v16, v16;
	v18 =	vadd.f32 v19, v18;
	v19 =	vmul.f32 v21, v21  }
0x4c: {  	v21 =	vld [tilespmem:s30+$0xFFFFFFF0];
	v17 =	vadd.f32 v20, v17;
	v20 =	vmul.f32 v22, v22;
	v22 =	vmul.f32 v23, v23  }
0x4d: {  	s29 =	simm.s32 $0x2060;
	v15 =	vmul.f32 v15, v15;
	v23 =	vld [tilespmem:s28+$0x0];
	v18 =	vadd.f32 v19, v18;
	v19 =	vmul.f32 v25, v25  }
0x4e: {  	v14 =	vmul.f32 v14, v14;
	v16 =	vadd.f32 v16, v17;
	v17 =	vadd.f32 v22, v20;
	v20 =	vld [tilespmem:s29+$0x10]  }
0x4f: {  	v13 =	vmul.f32 v13, v13;
	v22 =	vld [tilespmem:s28+$0xFFFFFFF0];
	v18 =	vmin.f32 v29, v18;
	v15 =	vadd.f32 v19, v15  }
0x50: {  	v25 =	vld [tilespmem:s26+$0x10];
	v14 =	vadd.f32 v14, v17;
	v19 =	vadd.f32 $1.600000000e+01, v5;
	vm6 =	vgt.f32 v18, v24  }
0x51: {  	v29 =	vmin.f32 v21, v16;
	v16 =	vsel vm6, v18, v24;
	v17 =	vsel vm6, v5, v26;
	v24 =	vld [tilespmem:s26+$0xFFFFFFF0]  }
0x52: {  	[tilespmem:s30+$0xFFFFFFE0] =	vst v18;
	v26 =	vmin.f32 v28, v14;
	v13 =	vadd.f32 v13, v15;
	v15 =	vld [tilespmem:s26+$0xFFFFFFE0];
	v18 =	vmul.f32 v30, v30  }
0x53: {  	v28 =	vld [tilespmem:s29+$0xFFFFFFE0];
	v30 =	vsub.f32 v34, v12;
	vm6 =	vgt.f32 v29, v16;
	v21 =	vsub.f32 v20, v10  }
0x54: {  	v35 =	vsub.f32 v22, v12;
	v22 =	vsub.f32 v31, v11;
	v32 =	vmin.f32 v27, v13;
	v27 =	vld [tilespmem:s29+$0xFFFFFFF0]  }
0x55: {  	v14 =	vsel vm6, v29, v16;
	v16 =	vsel vm6, v19, v17;
	v17 =	vadd.f32 $1.600000000e+01, v19  }
0x56: {  	v19 =	vsub.f32 v25, v11;
	v25 =	vld [tilespmem:s29+$0x0];
	v30 =	vmul.f32 v30, v30;
	vm6 =	vgt.f32 v26, v14  }
0x57: {  	v33 =	vsel vm6, v17, v16;
	v13 =	vadd.f32 $1.600000000e+01, v17;
	v17 =	vsub.f32 v23, v12  }
0x58: {  	s28 =	simm.s32 $0x6060;
	v14 =	vsel vm6, v26, v14;
	v20 =	vsub.f32 v15, v11;
	v23 =	vsub.f32 v28, v10  }
0x59: {  	vm6 =	vgt.f32 v32, v14;
	v24 =	vsub.f32 v24, v11;
	v15 =	vld [tilespmem:s28+$0x10];
	v27 =	vsub.f32 v27, v10  }
0x5a: {  	[tilespmem:s30+$0xFFFFFFF0] =	vst v29;
	v16 =	vsel vm6, v32, v14;
	v28 =	vmul.f32 v20, v20;
	v31 =	vmul.f32 v23, v23;
	v20 =	vld [tilespmem:s28+$0x0]  }
0x5b: {  	[tilespmem:s30+$0x0] =	vst v26;
	v23 =	vld [tilespmem:s28+$0xFFFFFFE0];
	v26 =	vmul.f32 v24, v24;
	v29 =	vmul.f32 v27, v27;
	v27 =	vsub.f32 v25, v10  }
0x5c: {  	s31 =	simm.s32 $0x40A0;
	[tilespmem:s30+$0x10] =	vst v32;
	s30 =	simm.s32 $0x4;
	v14 =	vsel vm6, v13, v33;
	v24 =	vld [tilespmem:s28+$0xFFFFFFF0];
	v28 =	vadd.f32 v31, v28;
	v25 =	vmul.f32 v35, v35  }
.LBB2_5:
0x5d: {  	v31 =	vld [tilespmem:s31+$0x10];
	v26 =	vadd.f32 v29, v26;
	v22 =	vmul.f32 v22, v22;
	v27 =	vmul.f32 v27, v27  }
0x5e: {  	v19 =	vmul.f32 v19, v19;
	v21 =	vmul.f32 v21, v21;
	s26 =	sadd.s32 $0x40, s26;
	v29 =	vld [tilespmem:s31+$0x0];
	v28 =	vadd.f32 v30, v28  }
0x5f: {  	v17 =	vmul.f32 v17, v17;
	s29 =	sadd.s32 $0x40, s29;
	v30 =	vld [tilespmem:s26+$0x10];
	v25 =	vadd.f32 v25, v26;
	v22 =	vadd.f32 v27, v22  }
0x60: {  	v13 =	vadd.f32 $1.600000000e+01, v13;
	v19 =	vadd.f32 v21, v19;
	v26 =	vld [tilespmem:s29+$0x10];
	v23 =	vmin.f32 v23, v28  }
0x61: {  	v27 =	vld [tilespmem:s31+$0xFFFFFFF0];
	[tilespmem:s28+$0xFFFFFFE0] =	vst v23;
	vm6 =	vgt.f32 v23, v16;
	v21 =	vmin.f32 v24, v25;
	v17 =	vadd.f32 v17, v22  }
0x62: {  	v22 =	vld [tilespmem:s26+$0x0];
	v16 =	vsel vm6, v23, v16;
	v14 =	vsel vm6, v13, v14;
	v13 =	vadd.f32 $1.600000000e+01, v13;
	[tilespmem:s28+$0xFFFFFFF0] =	vst v21  }
0x63: {  	v18 =	vadd.f32 v18, v19;
	v23 =	vld [tilespmem:s26+$0xFFFFFFF0];
	vm6 =	vgt.f32 v21, v16;
	v17 =	vmin.f32 v20, v17  }
0x64: {  	v20 =	vld [tilespmem:s26+$0xFFFFFFE0];
	v16 =	vsel vm6, v21, v16;
	v14 =	vsel vm6, v13, v14;
	v13 =	vadd.f32 $1.600000000e+01, v13;
	[tilespmem:s28+$0x0] =	vst v17  }
0x65: {  	s30 =	sadd.s32 $0x4, s30;
	v25 =	vsub.f32 v31, v12;
	v15 =	vmin.f32 v15, v18;
	v24 =	vld [tilespmem:s29+$0xFFFFFFE0];
	vm6 =	vgt.f32 v17, v16  }
0x66: {  	p1 =	slt.u32 s30, $0x1FC;
	v18 =	vld [tilespmem:s29+$0xFFFFFFF0];
	v16 =	vsel vm6, v17, v16;
	v14 =	vsel vm6, v13, v14;
	v13 =	vadd.f32 $1.600000000e+01, v13;
	[tilespmem:s28+$0x10] =	vst v15  }
0x67: {  	v19 =	vsub.f32 v30, v11;
	v17 =	vsub.f32 v29, v12;
	v28 =	vld [tilespmem:s31+$0xFFFFFFE0];
	vm6 =	vgt.f32 v15, v16  }
0x68: {  	v21 =	vsub.f32 v26, v10;
	v30 =	vld [tilespmem:s29+$0x0];
	v16 =	vsel vm6, v15, v16;
	v14 =	vsel vm6, v13, v14  }
0x69: {  	v31 =	vsub.f32 v27, v12;
	v22 =	vsub.f32 v22, v11  }
.Ltmp1:
0x6a: {  	s28 =	sadd.s32 $0x40, s28;
	v20 =	vsub.f32 v20, v11;
	v24 =	vsub.f32 v24, v10;
	(pc) =	sbr.rel @p1 .LBB2_5-.Ltmp1, $4  }
0x6b: {  	v26 =	vsub.f32 v23, v11;
	v27 =	vsub.f32 v18, v10;
	v18 =	vmul.f32 v25, v25;
	v15 =	vld [tilespmem:s28+$0x10]  }
0x6c: {  	v25 =	vsub.f32 v28, v12;
	v28 =	vmul.f32 v20, v20;
	v24 =	vmul.f32 v24, v24;
	v20 =	vld [tilespmem:s28+$0x0]  }
0x6d: {  	v26 =	vmul.f32 v26, v26;
	v23 =	vld [tilespmem:s28+$0xFFFFFFE0];
	v29 =	vmul.f32 v27, v27;
	v27 =	vsub.f32 v30, v10  }
0x6e: {  	s31 =	sadd.s32 $0x40, s31;
	v28 =	vadd.f32 v24, v28;
	v30 =	vmul.f32 v25, v25;
	v25 =	vmul.f32 v31, v31;
	v24 =	vld [tilespmem:s28+$0xFFFFFFF0]  }
0x6f: {  	v10 =	vadd.f32 v29, v26  }
0x70: {  	v11 =	vmul.f32 v22, v22;
	v12 =	vmul.f32 v27, v27;
	v58 =	vadd.f32 v30, v28  }
0x71: {  	v19 =	vmul.f32 v19, v19;
	v21 =	vmul.f32 v21, v21;
	v10 =	vadd.f32 v25, v10  }
0x72: {  	v11 =	vadd.f32 v12, v11;
	v12 =	vmul.f32 v17, v17;
	v59 =	vmin.f32 v23, v58  }
0x73: {  	v19 =	vadd.f32 v21, v19;
	vm6 =	vgt.f32 v59, v16  }
0x74: {  	v10 =	vmin.f32 v24, v10;
	v11 =	vadd.f32 v12, v11;
	v12 =	vsel vm6, v59, v16  }
0x75: {  	vm7 =	vgt.f32 v10, v12  }
0x76: {  	v60 =	vadd.f32 v18, v19;
	v11 =	vmin.f32 v20, v11;
	v12 =	vsel vm7, v10, v12  }
0x77: {  	vm8 =	vgt.f32 v11, v12  }
0x78: {  	v15 =	vmin.f32 v15, v60;
	v12 =	vsel vm8, v11, v12  }
0x79: {  	vm9 =	vgt.f32 v15, v12  }
0x7a: {  	v12 =	vsel vm9, v15, v12  }
0x7b: {  	(xrf0) =	vmax.scan.msk.f32 $0xffff, v12  }
0x7c: {  	v13 =	vadd.f32 $1.600000000e+01, v13;
	_ =	sdelay $0x1  }
0x7d: {  	v61 =	vadd.f32 $1.600000000e+01, v13;
	_ =	sdelay $0x1  }
0x7e: {  	v62 =	vadd.f32 $1.600000000e+01, v61  }
0x7f: {  	v13 =	vsel vm6, v13, v14;
	v14, _, _ =	vpop (xrf0)  }
0x80: {  	v63 =	vadd.f32 $1.600000000e+01, v62;
	v13 =	vsel vm7, v61, v13;
	v14 =	vbroadcast v14, $0xF  }
0x81: {  	v13 =	vsel vm8, v62, v13  }
0x82: {  	v13 =	vsel vm9, v63, v13;
	vm6 =	veq.f32 v12, v14  }
0x83: {  	v12 =	vnsel vm6, $0x7F61B1E6, v13  }
0x84: {  	(xrf0) =	vmin.scan.msk.f32 $0xffff, v12;
	_ =	sdelay $0x5  }
0x85: {  	v12, _, _ =	vpop (xrf0)  }
0x86: {  	(v2sf) =	vpush v12, $0xF  }
0x87: {  	v12 =	vtrunc.f32 v12  }
0x88: {  	v12 =	vcvt.f32.s32 v12;
	_ =	sdelay $0x1  }
0x89: {  	v12 =	vbroadcast v12, $0xF;
	_ =	sdelay $0x1  }
0x8a: {  	[tilespmem:s28+$0xFFFFFFE0] =	vst v59  }
0x8b: {  	[tilespmem:s28+$0xFFFFFFF0] =	vst v10  }
0x8c: {  	[tilespmem:s28+$0x0] =	vst v11  }
0x8d: {  	[tilespmem:s28+$0x10] =	vst v15  }
0x8e: {  	v10 =	vld.idx.msk [tilespmem:v12+s14+$0x0], $0xffff  }
0x8f: {  	v11 =	vld.idx.msk [tilespmem:v12+s15+$0x0], $0xffff  }
0x90: {  	v12 =	vld.idx.msk [tilespmem:v12+s2+$0x0], $0xffff;
	_ =	sdelay $0x2  }
0x91: {  	s26 =	spop (v2sf)  }
0x92: {  	v10 =	vsel vm3, v11, v10;
	s26 =	sadd.f32 s9, s26  }
0x93: {  	s29 =	sshll.u32 s25, $0x8;
	vm6 =	veq.s32 v6, $0x1;
	v10 =	vsel vm4, v10, v12  }
0x94: {  	s30 =	sand.u32 $0x100, s29;
	v10 =	vsel vm6, s26, v10  }
0x95: {  	s26 =	sadd.s32 s30, s10;
	v10 =	vsel vm2, v14, v10  }
0x96: {  	s31 =	sadd.s32 s21, s26;
	[tilespmem:$0x8C80] =	vst v10  }
0x97: {  	[spmem:s31] =	stream.linear.scatter [tilespmem:s22], [sflag:$0x1], $0x10, $0x38;
	[tilespmem:$0x8DA0] =	vst v63  }
0x98: {  	_ =	swait.ge [sflag:s13], $0x10  }
0x99: {  	[sflag:s13] =	ssyncset.done $0x0  }
0x9a: {  	[sflag:s13] =	ssyncadd.s32 $0xFFFFFFF0  }
0x9b: {  	[bflag:$0x0] =	sbarrier.arrive $0xFFFF  }
0x9c: {  	[tilespmem:s23], [sflag:$0x1] =	stream.linear.gather [spmem:s26], $0x40, $0x38;
	[tilespmem:$0x8DA0] =	vst v63  }
0x9d: {  	_ =	swait.ge [sflag:s13], $0x40  }
0x9e: {  	[sflag:s13] =	ssyncset.done $0x0  }
0x9f: {  	[sflag:s13] =	ssyncadd.s32 $0xFFFFFFC0  }
0xa0: {  	v10 =	vld.idx.msk [tilespmem:v7+s23+$0x0], $0xffff;
	_ =	sdelay $0x4  }
0xa1: {  	v11 =	vnsel vm5, $0xFF800000, v10  }
0xa2: {  	(xrf0) =	vmax.scan.msk.f32 $0xffff, v11;
	_ =	sdelay $0x5  }
0xa3: {  	v11 =	vld.idx.msk [tilespmem:v8+s23+$0x0], $0xffff;
	v12, _, _ =	vpop (xrf0)  }
0xa4: {  	v12 =	vbroadcast v12, $0xF;
	_ =	sdelay $0x1  }
0xa5: {  	vm6 =	veq.f32 v10, v12  }
0xa6: {  	vm6 =	vmand vm6, vm5  }
0xa7: {  	v10 =	vnsel vm6, $0x7F61B1E6, v11  }
0xa8: {  	(xrf0) =	vmin.scan.msk.f32 $0xffff, v10;
	_ =	sdelay $0x5  }
0xa9: {  	v10, _, _ =	vpop (xrf0)  }
0xaa: {  	v10 =	vtrunc.f32 v10  }
0xab: {  	v10 =	vcvt.f32.s32 v10;
	_ =	sdelay $0x1  }
0xac: {  	v10 =	vbroadcast v10, $0xF;
	_ =	sdelay $0x1  }
0xad: {  	v11 =	vshra.s32 v10, $0x1F;
	v12 =	vand.u32 $0x1FFF, v10  }
0xae: {  	vm6 =	vlt.s32 v10, $0x1;
	v11 =	vshrl.u32 v11, $0x13;
	vm7 =	vne.s32 v12, $0x0  }
0xaf: {  	v10 =	vadd.s32 v11, v10;
	vm6 =	vmand vm6, vm7  }
0xb0: {  	v10 =	vshra.s32 v10, $0xD;
	v11 =	vsel vm6, $0xFFFFFFFF, v9  }
0xb1: {  	v10 =	vadd.s32 v11, v10  }
0xb2: {  	v10 =	vshll.u32 v10, $0x4  }
0xb3: {  	v11 =	vor.u32 $0x3, v10  }
0xb4: {  	v12 =	vor.u32 $0x4, v10  }
0xb5: {  	v13 =	vor.u32 $0x2, v10;
	_ =	sdelay $0x2  }
0xb6: {  	v10 =	vld.idx.msk [tilespmem:v11+s23+$0x0], $0xffff  }
0xb7: {  	v12 =	vld.idx.msk [tilespmem:v12+s23+$0x0], $0xffff  }
0xb8: {  	v11 =	vld.idx.msk [tilespmem:v13+s23+$0x0], $0xffff;
	v13 =	vor.u32 s25, v4;
	s25 =	sadd.s32 $0x1, s25  }
0xb9: {  	p1 =	sne.s32 s25, $0x400  }
.Ltmp2:
0xba: {  	_ = 	snop;
	(pc) =	sbr.rel @p1 .LBB2_4-.Ltmp2, $4  }
0xbb: {  	_ = 	snop  }
0xbc: {  	v14 =	vsel vm1, v12, v10  }
0xbd: {  	v14 =	vsel vm2, v11, v14  }
0xbe: {  	[tilespmem:v13+s20+$0x0] =	vst.idx.msk vm0, v14  }
0xbf: {  	s25 =	simm.s32 @!p0 $0x0;
	s26 =	simm.s32 @!p0 $0x8000;
	s24 =	sadd.s32 $0x1, s24  }
0xc0: {  	[hbm4b:s11+s25] =	stream.linear.scatter @!p0 [tilespmem:s26], [sflag:$0x1], $0xC00, $0x38;
	[tilespmem:$0x8DA0] =	vst v63  }
0xc1: {  	p1 =	sne.s32 s24, s12  }
.Ltmp3:
0xc2: {  	_ = 	snop;
	(pc) =	sbr.rel @p1 .LBB2_1-.Ltmp3, $4  }
0xc3: {  	s25 =	simm.s32 @!p0 $0x1  }
0xc4: {  	_ =	swait.ge @!p0 [sflag:s25], $0xC00  }
0xc5: {  	[sflag:s25] =	ssyncset.done @!p0 $0x0  }
0xc6: {  	[sflag:s25] =	ssyncadd.s32 @!p0 $0xFFFFF400  }
0xc7: {  	_ =	sfence.sel $0x180000  }
0xc8: {  	[bflag:$0x0] =	sbarrier.arrive $0xFFFF  }
0xc9: {  	p0 =	sne.s32 s0, $0x0;
	_ =	strace $0x90000047  }
0xca: {  	s0 =	sadd.s32 @!p0 $0x100000, s1;
	[bflag:$0x2] =	sbarrier.arrive $0xFFFF  }
0xcb: {  	[sflag:s0] =	ssyncadd.tile.s32 @!p0 $0x1;
	_ =	shalt  }
.Lfunc_end2:
_tile_overlayer_lowered:
.L_overlay_start_2:
0xcc: {  	(tag) =	ssettag $0x2  }
0xcd: {  	s0 =	rddreg [dreg:$0x0];
	s2 =	stileid.u32  }
0xce: {  	s1 =	rddreg [dreg:$0x1];
	p0 =	sne.s32 s2, $0x0  }
0xcf: {  	s3 =	rddreg [dreg:$0x2];
	[bflag:$0x3] =	sbarrier.arrive $0xFFFF;
	s2 =	simm.s32 @!p0 $0x1C01  }
0xd0: {  	[timem:s3], [sflag:s2] =	dma.local @!p0 [hbm:s0], s1  }
0xd1: {  	s0 =	simm.s32 @!p0 $0x1  }
0xd2: {  	_ =	swait.ge @!p0 [sflag:s0], s1  }
0xd3: {  	s1 =	ssub.s32 @!p0 $0x0, s1;
	[sflag:s0] =	ssyncset.done @!p0 $0x0  }
0xd4: {  	[sflag:s0] =	ssyncadd.s32 @!p0 s1  }
0xd5: {  	[bflag:$0x3] =	sbarrier.arrive $0xFFFF  }
0xd6: {  	_ =	shalt  }

</sc_bundles>
